<compile_context>
chip_gen: v7x
topology: tpu7x:2x2x1
jax: 0.10.2.dev20260603
libtpu: 0.0.44.dev20260713+nightly
codegen_flags: <defaults>
</compile_context>

<pallas_src>
import jax
import jax.numpy as jnp
from jax import lax
from jax.experimental import pallas as pl
from jax.experimental.pallas import tpu as pltpu
from jax.experimental.pallas import tpu_sc as plsc

NUM_CLASSES = 100000
DIM = 64
BATCH = 16384
NC = 2
NS = 16
NW = NC * NS
FEATS_PER_W = DIM // NW
LANES = 16
STRIP = 4096
NSTRIP = BATCH // STRIP


def _sc_body(y_hbm, dft_hbm, ctt_hbm, out_hbm, row_v, y_v, df_v, acc_v,
             rsem, ysem, dsem):
    wid = lax.axis_index("s") * NC + lax.axis_index("c")

    yc = pltpu.async_copy(y_hbm, y_v, ysem)

    def strip_copy(c, s, b):
        return pltpu.async_copy(dft_hbm.at[c, pl.ds(s * STRIP, STRIP)],
                                df_v.at[pl.ds(b * STRIP, STRIP)], dsem)

    def strip_compute(s, b, acc):
        ybase = s * STRIP
        dbase = b * STRIP

        @plsc.parallel_loop(0, STRIP, 4 * LANES, unroll=2, carry=acc)
        def loop(pos, accs):
            out = []
            for u in range(4):
                p = pos + u * LANES
                yv = y_v[pl.ds(ybase + p, LANES)]
                g = plsc.load_gather(row_v, [yv])
                d = df_v[pl.ds(dbase + p, LANES)] - g
                out.append(accs[u] + d * d)
            return tuple(out)

        return loop

    acc = tuple(jnp.zeros((LANES,), jnp.float32) for _ in range(4))
    first = True
    for f in range(FEATS_PER_W):
        c = wid + NW * f
        rc = pltpu.async_copy(ctt_hbm.at[c], row_v, rsem)
        cp = strip_copy(c, 0, 0)
        rc.wait()
        if first:
            yc.wait()
            first = False
        for s in range(NSTRIP):
            b = s % 2
            nxt = None
            if s + 1 < NSTRIP:
                nxt = strip_copy(c, s + 1, 1 - b)
            cp.wait()
            acc = strip_compute(s, b, acc)
            cp = nxt

    acc_v[...] = (acc[0] + acc[1]) + (acc[2] + acc[3])
    pltpu.sync_copy(
        acc_v, out_hbm.at[pl.ds(pl.multiple_of(wid * LANES, LANES), LANES)])


_sc_call = pl.kernel(
    _sc_body,
    out_type=jax.ShapeDtypeStruct((NW * LANES,), jnp.float32),
    mesh=plsc.VectorSubcoreMesh(core_axis_name="c", subcore_axis_name="s"),
    compiler_params=pltpu.CompilerParams(use_tc_tiling_on_sc=True,
                                         needs_layout_passes=False,
                                         disable_bounds_checks=True,
                                         disable_semaphore_checks=True),
    scratch_types=[
        pltpu.VMEM((NUM_CLASSES,), jnp.float32),
        pltpu.VMEM((BATCH,), jnp.int32),
        pltpu.VMEM((2 * STRIP,), jnp.float32),
        pltpu.VMEM((LANES,), jnp.float32),
        pltpu.SemaphoreType.DMA,
        pltpu.SemaphoreType.DMA,
        pltpu.SemaphoreType.DMA,
    ],
)


@jax.jit
def kernel(y, deep_feat, centers):
    partials = _sc_call(y.astype(jnp.int32), deep_feat.T, centers.T)
    return 0.5 * jnp.sqrt(jnp.sum(partials)) / BATCH

# --- scband reference (transcript-rebuilt; emitter-appended) ---
"""Pipeline reference for scband-center-loss-with-autograd-37666863186511 (READ-ONLY COPY).

The authoritative reference and input builder live on the scoring server;
editing this copy changes nothing except your own understanding.
"""

import jax, jax.numpy as jnp
import numpy as np

NUM_CLASSES = 100000
DIM_FEAT = 64
BATCH = 16384

def setup_inputs(seed: int = 0) -> dict:
    key = jax.random.key(seed)
    k1, k2, k3 = jax.random.split(key, 3)
    y = jax.random.randint(k1, (BATCH,), 0, NUM_CLASSES, dtype=jnp.int64 if jax.config.jax_enable_x64 else jnp.int32)
    deep_feat = jax.random.normal(k2, (BATCH, DIM_FEAT), dtype=jnp.float32)
    centers = jax.random.normal(k3, (NUM_CLASSES, DIM_FEAT), dtype=jnp.float32)
    return {"y": y, "deep_feat": deep_feat, "centers": centers}

def reference(y, deep_feat, centers):
    batch_size = deep_feat.shape[0]
    chosen_centers = jnp.take(centers, y, axis=0)
    # torch.Tensor.dist(other, p=2): Frobenius-style p-norm of (deep_feat - chosen_centers)
    diff = deep_feat - chosen_centers
    p_norm = jnp.sqrt(jnp.sum(diff * diff))
    loss = 0.5 * p_norm / batch_size
    return loss

if __name__ == "__main__":
    import jax
    _d = setup_inputs()
    print(jax.jit(kernel)(*tuple(_d.values())))

</pallas_src>

<mosaic_0001>
#map = affine_map<(d0, d1) -> (0)>
#map1 = affine_map<(d0, d1) -> (0, 0)>
module attributes {stable_mosaic.version = 14 : i64} {
  func.func @_sc_body(%arg0: i32, %arg1: i32, %arg2: memref<16384xi32, #tpu.memory_space<hbm>>, %arg3: memref<64x16384xf32, #tpu.memory_space<hbm>>, %arg4: memref<64x100000xf32, #tpu.memory_space<hbm>>, %arg5: memref<512xf32, #tpu.memory_space<hbm>>, %arg6: memref<100000xf32, #tpu.memory_space<vmem>>, %arg7: memref<16384xi32, #tpu.memory_space<vmem>>, %arg8: memref<8192xf32, #tpu.memory_space<vmem>>, %arg9: memref<16xf32, #tpu.memory_space<vmem>>, %arg10: memref<!tpu.dma_semaphore, #tpu.memory_space<semaphore_mem>>, %arg11: memref<!tpu.dma_semaphore, #tpu.memory_space<semaphore_mem>>, %arg12: memref<!tpu.dma_semaphore, #tpu.memory_space<semaphore_mem>>) attributes {dimension_semantics = [#tpu.dimension_semantics<core_parallel>, #tpu.dimension_semantics<subcore_parallel>], iteration_bounds = array<i64: 2, 16>, scalar_prefetch = 0 : i64, scratch_operands = 7 : i64, tpu.core_type = #tpu.core_type<sc_vector_subcore>, window_params = [{transform_indices = #map}, {transform_indices = #map1}, {transform_indices = #map1}, {transform_indices = #map}]} {
    %mul3A = arith.constant 2 : i32
    %mul3A_0 = arith.muli %arg1, %mul3A : i32
    %add3A = arith.addi %mul3A_0, %arg0 : i32
    tpu.enqueue_dma source(%arg2 : memref<16384xi32, #tpu.memory_space<hbm>>) target(%arg7 : memref<16384xi32, #tpu.memory_space<vmem>>) target_semaphore(%arg11 : memref<!tpu.dma_semaphore, #tpu.memory_space<semaphore_mem>>)
    %broadcast_in_dim3A = arith.constant 0.000000e+00 : f32
    %broadcast_in_dim3A_1 = vector.broadcast %broadcast_in_dim3A : f32 to vector<16xf32>
    %broadcast_in_dim3A_2 = arith.constant 0.000000e+00 : f32
    %broadcast_in_dim3A_3 = vector.broadcast %broadcast_in_dim3A_2 : f32 to vector<16xf32>
    %broadcast_in_dim3A_4 = arith.constant 0.000000e+00 : f32
    %broadcast_in_dim3A_5 = vector.broadcast %broadcast_in_dim3A_4 : f32 to vector<16xf32>
    %broadcast_in_dim3A_6 = arith.constant 0.000000e+00 : f32
    %broadcast_in_dim3A_7 = vector.broadcast %broadcast_in_dim3A_6 : f32 to vector<16xf32>
    %add3A_8 = arith.constant 0 : i32
    %add3A_9 = arith.addi %add3A, %add3A_8 : i32
    %dma_start3A = arith.constant 0 : i32
    %dma_start3A_10 = tpu.memref_slice %arg4[%add3A_9, %dma_start3A] : memref<64x100000xf32, #tpu.memory_space<hbm>> -> memref<1x100000xf32, #tpu.memory_space<hbm>>
    %dma_start3A_11 = tpu.memref_squeeze %dma_start3A_10 : memref<1x100000xf32, #tpu.memory_space<hbm>> -> memref<100000xf32, #tpu.memory_space<hbm>>
    %dma_start3A_12 = arith.constant 0 : i32
    %dma_start3A_13 = tpu.memref_slice %arg4[%add3A_9, %dma_start3A_12] : memref<64x100000xf32, #tpu.memory_space<hbm>> -> memref<1x100000xf32, #tpu.memory_space<hbm>>
    %dma_start3A_14 = tpu.memref_squeeze %dma_start3A_13 : memref<1x100000xf32, #tpu.memory_space<hbm>> -> memref<100000xf32, #tpu.memory_space<hbm>>
    tpu.enqueue_dma source(%dma_start3A_14 : memref<100000xf32, #tpu.memory_space<hbm>>) target(%arg6 : memref<100000xf32, #tpu.memory_space<vmem>>) target_semaphore(%arg10 : memref<!tpu.dma_semaphore, #tpu.memory_space<semaphore_mem>>)
    %dma_start3A_15 = arith.constant 0 : i32
    %dma_start3A_16 = tpu.memref_slice %arg8[%dma_start3A_15] : memref<8192xf32, #tpu.memory_space<vmem>> -> memref<4096xf32, #tpu.memory_space<vmem>>
    %dma_start3A_17 = arith.constant 0 : i32
    %dma_start3A_18 = tpu.memref_slice %arg3[%add3A_9, %dma_start3A_17] : memref<64x16384xf32, #tpu.memory_space<hbm>> -> memref<1x4096xf32, #tpu.memory_space<hbm>>
    %dma_start3A_19 = tpu.memref_squeeze %dma_start3A_18 : memref<1x4096xf32, #tpu.memory_space<hbm>> -> memref<4096xf32, #tpu.memory_space<hbm>>
    %dma_start3A_20 = arith.constant 0 : i32
    %dma_start3A_21 = tpu.memref_slice %arg8[%dma_start3A_20] : memref<8192xf32, #tpu.memory_space<vmem>> -> memref<4096xf32, #tpu.memory_space<vmem>>
    %dma_start3A_22 = arith.constant 0 : i32
    %dma_start3A_23 = tpu.memref_slice %arg3[%add3A_9, %dma_start3A_22] : memref<64x16384xf32, #tpu.memory_space<hbm>> -> memref<1x4096xf32, #tpu.memory_space<hbm>>
    %dma_start3A_24 = tpu.memref_squeeze %dma_start3A_23 : memref<1x4096xf32, #tpu.memory_space<hbm>> -> memref<4096xf32, #tpu.memory_space<hbm>>
    tpu.enqueue_dma source(%dma_start3A_24 : memref<4096xf32, #tpu.memory_space<hbm>>) target(%dma_start3A_21 : memref<4096xf32, #tpu.memory_space<vmem>>) target_semaphore(%arg12 : memref<!tpu.dma_semaphore, #tpu.memory_space<semaphore_mem>>)
    %dma_wait3A = arith.constant 0 : i32
    %dma_wait3A_25 = tpu.memref_slice %arg4[%add3A_9, %dma_wait3A] : memref<64x100000xf32, #tpu.memory_space<hbm>> -> memref<1x100000xf32, #tpu.memory_space<hbm>>
    %dma_wait3A_26 = tpu.memref_squeeze %dma_wait3A_25 : memref<1x100000xf32, #tpu.memory_space<hbm>> -> memref<100000xf32, #tpu.memory_space<hbm>>
    %dma_wait3A_27 = arith.constant 0 : i32
    %dma_wait3A_28 = tpu.memref_slice %arg4[%add3A_9, %dma_wait3A_27] : memref<64x100000xf32, #tpu.memory_space<hbm>> -> memref<1x100000xf32, #tpu.memory_space<hbm>>
    %dma_wait3A_29 = tpu.memref_squeeze %dma_wait3A_28 : memref<1x100000xf32, #tpu.memory_space<hbm>> -> memref<100000xf32, #tpu.memory_space<hbm>>
    tpu.wait_dma2 semaphore(%arg10 : memref<!tpu.dma_semaphore, #tpu.memory_space<semaphore_mem>>) src(%dma_wait3A_29 : memref<100000xf32, #tpu.memory_space<hbm>>) dst(%arg6 : memref<100000xf32, #tpu.memory_space<vmem>>)
    tpu.wait_dma2 semaphore(%arg11 : memref<!tpu.dma_semaphore, #tpu.memory_space<semaphore_mem>>) src(%arg2 : memref<16384xi32, #tpu.memory_space<hbm>>) dst(%arg7 : memref<16384xi32, #tpu.memory_space<vmem>>)
    %dma_start3A_30 = arith.constant 4096 : i32
    %dma_start3A_31 = tpu.memref_slice %arg8[%dma_start3A_30] : memref<8192xf32, #tpu.memory_space<vmem>> -> memref<4096xf32, #tpu.memory_space<vmem>>
    %dma_start3A_32 = arith.constant 4096 : i32
    %dma_start3A_33 = tpu.memref_slice %arg3[%add3A_9, %dma_start3A_32] : memref<64x16384xf32, #tpu.memory_space<hbm>> -> memref<1x4096xf32, #tpu.memory_space<hbm>>
    %dma_start3A_34 = tpu.memref_squeeze %dma_start3A_33 : memref<1x4096xf32, #tpu.memory_space<hbm>> -> memref<4096xf32, #tpu.memory_space<hbm>>
    %dma_start3A_35 = arith.constant 4096 : i32
    %dma_start3A_36 = tpu.memref_slice %arg8[%dma_start3A_35] : memref<8192xf32, #tpu.memory_space<vmem>> -> memref<4096xf32, #tpu.memory_space<vmem>>
    %dma_start3A_37 = arith.constant 4096 : i32
    %dma_start3A_38 = tpu.memref_slice %arg3[%add3A_9, %dma_start3A_37] : memref<64x16384xf32, #tpu.memory_space<hbm>> -> memref<1x4096xf32, #tpu.memory_space<hbm>>
    %dma_start3A_39 = tpu.memref_squeeze %dma_start3A_38 : memref<1x4096xf32, #tpu.memory_space<hbm>> -> memref<4096xf32, #tpu.memory_space<hbm>>
    tpu.enqueue_dma source(%dma_start3A_39 : memref<4096xf32, #tpu.memory_space<hbm>>) target(%dma_start3A_36 : memref<4096xf32, #tpu.memory_space<vmem>>) target_semaphore(%arg12 : memref<!tpu.dma_semaphore, #tpu.memory_space<semaphore_mem>>)
    %dma_wait3A_40 = arith.constant 0 : i32
    %dma_wait3A_41 = tpu.memref_slice %arg8[%dma_wait3A_40] : memref<8192xf32, #tpu.memory_space<vmem>> -> memref<4096xf32, #tpu.memory_space<vmem>>
    %dma_wait3A_42 = arith.constant 0 : i32
    %dma_wait3A_43 = tpu.memref_slice %arg3[%add3A_9, %dma_wait3A_42] : memref<64x16384xf32, #tpu.memory_space<hbm>> -> memref<1x4096xf32, #tpu.memory_space<hbm>>
    %dma_wait3A_44 = tpu.memref_squeeze %dma_wait3A_43 : memref<1x4096xf32, #tpu.memory_space<hbm>> -> memref<4096xf32, #tpu.memory_space<hbm>>
    %dma_wait3A_45 = arith.constant 0 : i32
    %dma_wait3A_46 = tpu.memref_slice %arg8[%dma_wait3A_45] : memref<8192xf32, #tpu.memory_space<vmem>> -> memref<4096xf32, #tpu.memory_space<vmem>>
    %dma_wait3A_47 = arith.constant 0 : i32
    %dma_wait3A_48 = tpu.memref_slice %arg3[%add3A_9, %dma_wait3A_47] : memref<64x16384xf32, #tpu.memory_space<hbm>> -> memref<1x4096xf32, #tpu.memory_space<hbm>>
    %dma_wait3A_49 = tpu.memref_squeeze %dma_wait3A_48 : memref<1x4096xf32, #tpu.memory_space<hbm>> -> memref<4096xf32, #tpu.memory_space<hbm>>
    tpu.wait_dma2 semaphore(%arg12 : memref<!tpu.dma_semaphore, #tpu.memory_space<semaphore_mem>>) src(%dma_wait3A_49 : memref<4096xf32, #tpu.memory_space<hbm>>) dst(%dma_wait3A_46 : memref<4096xf32, #tpu.memory_space<vmem>>)
    %parallel_loop3A = arith.constant 0 : i32
    %parallel_loop3A_50 = arith.constant 4096 : i32
    %parallel_loop3A_51 = arith.constant 64 : i32
    %parallel_loop3A_52:4 = scf.for %parallel_loop3A_231 = %parallel_loop3A to %parallel_loop3A_50 step %parallel_loop3A_51 iter_args(%parallel_loop3A_232 = %broadcast_in_dim3A_1, %parallel_loop3A_233 = %broadcast_in_dim3A_3, %parallel_loop3A_234 = %broadcast_in_dim3A_5, %parallel_loop3A_235 = %broadcast_in_dim3A_7) -> (vector<16xf32>, vector<16xf32>, vector<16xf32>, vector<16xf32>)  : i32 {
      %parallel_loop3A_236 = arith.constant 0 : i32
      %parallel_loop3A_237 = arith.addi %parallel_loop3A_231, %parallel_loop3A_236 : i32
      %parallel_loop3A_238 = arith.constant 0 : i32
      %parallel_loop3A_239 = arith.addi %parallel_loop3A_238, %parallel_loop3A_237 : i32
      %parallel_loop3A_240 = arith.index_cast %parallel_loop3A_239 : i32 to index
      %parallel_loop3A_241 = tpu.vector_load %arg7[%parallel_loop3A_240] {strides = array<i32>} : memref<16384xi32, #tpu.memory_space<vmem>>, vector<16xi32>,
      %parallel_loop3A_242 = tpu.vector_load_idx %arg6[%parallel_loop3A_241] : memref<100000xf32, #tpu.memory_space<vmem>>[vector<16xi32>], vector<16xf32>,
      %parallel_loop3A_243 = arith.constant 0 : i32
      %parallel_loop3A_244 = arith.addi %parallel_loop3A_243, %parallel_loop3A_237 : i32
      %parallel_loop3A_245 = arith.index_cast %parallel_loop3A_244 : i32 to index
      %parallel_loop3A_246 = tpu.vector_load %arg8[%parallel_loop3A_245] {strides = array<i32>} : memref<8192xf32, #tpu.memory_space<vmem>>, vector<16xf32>,
      %parallel_loop3A_247 = arith.subf %parallel_loop3A_246, %parallel_loop3A_242 : vector<16xf32>
      %parallel_loop3A_248 = arith.mulf %parallel_loop3A_247, %parallel_loop3A_247 : vector<16xf32>
      %parallel_loop3A_249 = arith.addf %parallel_loop3A_232, %parallel_loop3A_248 : vector<16xf32>
      %parallel_loop3A_250 = arith.constant 16 : i32
      %parallel_loop3A_251 = arith.addi %parallel_loop3A_231, %parallel_loop3A_250 : i32
      %parallel_loop3A_252 = arith.constant 0 : i32
      %parallel_loop3A_253 = arith.addi %parallel_loop3A_252, %parallel_loop3A_251 : i32
      %parallel_loop3A_254 = arith.index_cast %parallel_loop3A_253 : i32 to index
      %parallel_loop3A_255 = tpu.vector_load %arg7[%parallel_loop3A_254] {strides = array<i32>} : memref<16384xi32, #tpu.memory_space<vmem>>, vector<16xi32>,
      %parallel_loop3A_256 = tpu.vector_load_idx %arg6[%parallel_loop3A_255] : memref<100000xf32, #tpu.memory_space<vmem>>[vector<16xi32>], vector<16xf32>,
      %parallel_loop3A_257 = arith.constant 0 : i32
      %parallel_loop3A_258 = arith.addi %parallel_loop3A_257, %parallel_loop3A_251 : i32
      %parallel_loop3A_259 = arith.index_cast %parallel_loop3A_258 : i32 to index
      %parallel_loop3A_260 = tpu.vector_load %arg8[%parallel_loop3A_259] {strides = array<i32>} : memref<8192xf32, #tpu.memory_space<vmem>>, vector<16xf32>,
      %parallel_loop3A_261 = arith.subf %parallel_loop3A_260, %parallel_loop3A_256 : vector<16xf32>
      %parallel_loop3A_262 = arith.mulf %parallel_loop3A_261, %parallel_loop3A_261 : vector<16xf32>
      %parallel_loop3A_263 = arith.addf %parallel_loop3A_233, %parallel_loop3A_262 : vector<16xf32>
      %parallel_loop3A_264 = arith.constant 32 : i32
      %parallel_loop3A_265 = arith.addi %parallel_loop3A_231, %parallel_loop3A_264 : i32
      %parallel_loop3A_266 = arith.constant 0 : i32
      %parallel_loop3A_267 = arith.addi %parallel_loop3A_266, %parallel_loop3A_265 : i32
      %parallel_loop3A_268 = arith.index_cast %parallel_loop3A_267 : i32 to index
      %parallel_loop3A_269 = tpu.vector_load %arg7[%parallel_loop3A_268] {strides = array<i32>} : memref<16384xi32, #tpu.memory_space<vmem>>, vector<16xi32>,
      %parallel_loop3A_270 = tpu.vector_load_idx %arg6[%parallel_loop3A_269] : memref<100000xf32, #tpu.memory_space<vmem>>[vector<16xi32>], vector<16xf32>,
      %parallel_loop3A_271 = arith.constant 0 : i32
      %parallel_loop3A_272 = arith.addi %parallel_loop3A_271, %parallel_loop3A_265 : i32
      %parallel_loop3A_273 = arith.index_cast %parallel_loop3A_272 : i32 to index
      %parallel_loop3A_274 = tpu.vector_load %arg8[%parallel_loop3A_273] {strides = array<i32>} : memref<8192xf32, #tpu.memory_space<vmem>>, vector<16xf32>,
      %parallel_loop3A_275 = arith.subf %parallel_loop3A_274, %parallel_loop3A_270 : vector<16xf32>
      %parallel_loop3A_276 = arith.mulf %parallel_loop3A_275, %parallel_loop3A_275 : vector<16xf32>
      %parallel_loop3A_277 = arith.addf %parallel_loop3A_234, %parallel_loop3A_276 : vector<16xf32>
      %parallel_loop3A_278 = arith.constant 48 : i32
      %parallel_loop3A_279 = arith.addi %parallel_loop3A_231, %parallel_loop3A_278 : i32
      %parallel_loop3A_280 = arith.constant 0 : i32
      %parallel_loop3A_281 = arith.addi %parallel_loop3A_280, %parallel_loop3A_279 : i32
      %parallel_loop3A_282 = arith.index_cast %parallel_loop3A_281 : i32 to index
      %parallel_loop3A_283 = tpu.vector_load %arg7[%parallel_loop3A_282] {strides = array<i32>} : memref<16384xi32, #tpu.memory_space<vmem>>, vector<16xi32>,
      %parallel_loop3A_284 = tpu.vector_load_idx %arg6[%parallel_loop3A_283] : memref<100000xf32, #tpu.memory_space<vmem>>[vector<16xi32>], vector<16xf32>,
      %parallel_loop3A_285 = arith.constant 0 : i32
      %parallel_loop3A_286 = arith.addi %parallel_loop3A_285, %parallel_loop3A_279 : i32
      %parallel_loop3A_287 = arith.index_cast %parallel_loop3A_286 : i32 to index
      %parallel_loop3A_288 = tpu.vector_load %arg8[%parallel_loop3A_287] {strides = array<i32>} : memref<8192xf32, #tpu.memory_space<vmem>>, vector<16xf32>,
      %parallel_loop3A_289 = arith.subf %parallel_loop3A_288, %parallel_loop3A_284 : vector<16xf32>
      %parallel_loop3A_290 = arith.mulf %parallel_loop3A_289, %parallel_loop3A_289 : vector<16xf32>
      %parallel_loop3A_291 = arith.addf %parallel_loop3A_235, %parallel_loop3A_290 : vector<16xf32>
      scf.yield %parallel_loop3A_249, %parallel_loop3A_263, %parallel_loop3A_277, %parallel_loop3A_291 : vector<16xf32>, vector<16xf32>, vector<16xf32>, vector<16xf32>
    } {sc.loop_unroll_factor = 2 : i64, sc.parallel_access}
    %dma_start3A_53 = arith.constant 0 : i32
    %dma_start3A_54 = tpu.memref_slice %arg8[%dma_start3A_53] : memref<8192xf32, #tpu.memory_space<vmem>> -> memref<4096xf32, #tpu.memory_space<vmem>>
    %dma_start3A_55 = arith.constant 8192 : i32
    %dma_start3A_56 = tpu.memref_slice %arg3[%add3A_9, %dma_start3A_55] : memref<64x16384xf32, #tpu.memory_space<hbm>> -> memref<1x4096xf32, #tpu.memory_space<hbm>>
    %dma_start3A_57 = tpu.memref_squeeze %dma_start3A_56 : memref<1x4096xf32, #tpu.memory_space<hbm>> -> memref<4096xf32, #tpu.memory_space<hbm>>
    %dma_start3A_58 = arith.constant 0 : i32
    %dma_start3A_59 = tpu.memref_slice %arg8[%dma_start3A_58] : memref<8192xf32, #tpu.memory_space<vmem>> -> memref<4096xf32, #tpu.memory_space<vmem>>
    %dma_start3A_60 = arith.constant 8192 : i32
    %dma_start3A_61 = tpu.memref_slice %arg3[%add3A_9, %dma_start3A_60] : memref<64x16384xf32, #tpu.memory_space<hbm>> -> memref<1x4096xf32, #tpu.memory_space<hbm>>
    %dma_start3A_62 = tpu.memref_squeeze %dma_start3A_61 : memref<1x4096xf32, #tpu.memory_space<hbm>> -> memref<4096xf32, #tpu.memory_space<hbm>>
    tpu.enqueue_dma source(%dma_start3A_62 : memref<4096xf32, #tpu.memory_space<hbm>>) target(%dma_start3A_59 : memref<4096xf32, #tpu.memory_space<vmem>>) target_semaphore(%arg12 : memref<!tpu.dma_semaphore, #tpu.memory_space<semaphore_mem>>)
    %dma_wait3A_63 = arith.constant 4096 : i32
    %dma_wait3A_64 = tpu.memref_slice %arg8[%dma_wait3A_63] : memref<8192xf32, #tpu.memory_space<vmem>> -> memref<4096xf32, #tpu.memory_space<vmem>>
    %dma_wait3A_65 = arith.constant 4096 : i32
    %dma_wait3A_66 = tpu.memref_slice %arg3[%add3A_9, %dma_wait3A_65] : memref<64x16384xf32, #tpu.memory_space<hbm>> -> memref<1x4096xf32, #tpu.memory_space<hbm>>
    %dma_wait3A_67 = tpu.memref_squeeze %dma_wait3A_66 : memref<1x4096xf32, #tpu.memory_space<hbm>> -> memref<4096xf32, #tpu.memory_space<hbm>>
    %dma_wait3A_68 = arith.constant 4096 : i32
    %dma_wait3A_69 = tpu.memref_slice %arg8[%dma_wait3A_68] : memref<8192xf32, #tpu.memory_space<vmem>> -> memref<4096xf32, #tpu.memory_space<vmem>>
    %dma_wait3A_70 = arith.constant 4096 : i32
    %dma_wait3A_71 = tpu.memref_slice %arg3[%add3A_9, %dma_wait3A_70] : memref<64x16384xf32, #tpu.memory_space<hbm>> -> memref<1x4096xf32, #tpu.memory_space<hbm>>
    %dma_wait3A_72 = tpu.memref_squeeze %dma_wait3A_71 : memref<1x4096xf32, #tpu.memory_space<hbm>> -> memref<4096xf32, #tpu.memory_space<hbm>>
    tpu.wait_dma2 semaphore(%arg12 : memref<!tpu.dma_semaphore, #tpu.memory_space<semaphore_mem>>) src(%dma_wait3A_72 : memref<4096xf32, #tpu.memory_space<hbm>>) dst(%dma_wait3A_69 : memref<4096xf32, #tpu.memory_space<vmem>>)
    %parallel_loop3A_73 = arith.constant 0 : i32
    %parallel_loop3A_74 = arith.constant 4096 : i32
    %parallel_loop3A_75 = arith.constant 64 : i32
    %parallel_loop3A_76:4 = scf.for %parallel_loop3A_231 = %parallel_loop3A_73 to %parallel_loop3A_74 step %parallel_loop3A_75 iter_args(%parallel_loop3A_232 = %parallel_loop3A_52#0, %parallel_loop3A_233 = %parallel_loop3A_52#1, %parallel_loop3A_234 = %parallel_loop3A_52#2, %parallel_loop3A_235 = %parallel_loop3A_52#3) -> (vector<16xf32>, vector<16xf32>, vector<16xf32>, vector<16xf32>)  : i32 {
      %parallel_loop3A_236 = arith.constant 0 : i32
      %parallel_loop3A_237 = arith.addi %parallel_loop3A_231, %parallel_loop3A_236 : i32
      %parallel_loop3A_238 = arith.constant 4096 : i32
      %parallel_loop3A_239 = arith.addi %parallel_loop3A_238, %parallel_loop3A_237 : i32
      %parallel_loop3A_240 = arith.index_cast %parallel_loop3A_239 : i32 to index
      %parallel_loop3A_241 = tpu.vector_load %arg7[%parallel_loop3A_240] {strides = array<i32>} : memref<16384xi32, #tpu.memory_space<vmem>>, vector<16xi32>,
      %parallel_loop3A_242 = tpu.vector_load_idx %arg6[%parallel_loop3A_241] : memref<100000xf32, #tpu.memory_space<vmem>>[vector<16xi32>], vector<16xf32>,
      %parallel_loop3A_243 = arith.constant 4096 : i32
      %parallel_loop3A_244 = arith.addi %parallel_loop3A_243, %parallel_loop3A_237 : i32
      %parallel_loop3A_245 = arith.index_cast %parallel_loop3A_244 : i32 to index
      %parallel_loop3A_246 = tpu.vector_load %arg8[%parallel_loop3A_245] {strides = array<i32>} : memref<8192xf32, #tpu.memory_space<vmem>>, vector<16xf32>,
      %parallel_loop3A_247 = arith.subf %parallel_loop3A_246, %parallel_loop3A_242 : vector<16xf32>
      %parallel_loop3A_248 = arith.mulf %parallel_loop3A_247, %parallel_loop3A_247 : vector<16xf32>
      %parallel_loop3A_249 = arith.addf %parallel_loop3A_232, %parallel_loop3A_248 : vector<16xf32>
      %parallel_loop3A_250 = arith.constant 16 : i32
      %parallel_loop3A_251 = arith.addi %parallel_loop3A_231, %parallel_loop3A_250 : i32
      %parallel_loop3A_252 = arith.constant 4096 : i32
      %parallel_loop3A_253 = arith.addi %parallel_loop3A_252, %parallel_loop3A_251 : i32
      %parallel_loop3A_254 = arith.index_cast %parallel_loop3A_253 : i32 to index
      %parallel_loop3A_255 = tpu.vector_load %arg7[%parallel_loop3A_254] {strides = array<i32>} : memref<16384xi32, #tpu.memory_space<vmem>>, vector<16xi32>,
      %parallel_loop3A_256 = tpu.vector_load_idx %arg6[%parallel_loop3A_255] : memref<100000xf32, #tpu.memory_space<vmem>>[vector<16xi32>], vector<16xf32>,
      %parallel_loop3A_257 = arith.constant 4096 : i32
      %parallel_loop3A_258 = arith.addi %parallel_loop3A_257, %parallel_loop3A_251 : i32
      %parallel_loop3A_259 = arith.index_cast %parallel_loop3A_258 : i32 to index
      %parallel_loop3A_260 = tpu.vector_load %arg8[%parallel_loop3A_259] {strides = array<i32>} : memref<8192xf32, #tpu.memory_space<vmem>>, vector<16xf32>,
      %parallel_loop3A_261 = arith.subf %parallel_loop3A_260, %parallel_loop3A_256 : vector<16xf32>
      %parallel_loop3A_262 = arith.mulf %parallel_loop3A_261, %parallel_loop3A_261 : vector<16xf32>
      %parallel_loop3A_263 = arith.addf %parallel_loop3A_233, %parallel_loop3A_262 : vector<16xf32>
      %parallel_loop3A_264 = arith.constant 32 : i32
      %parallel_loop3A_265 = arith.addi %parallel_loop3A_231, %parallel_loop3A_264 : i32
      %parallel_loop3A_266 = arith.constant 4096 : i32
      %parallel_loop3A_267 = arith.addi %parallel_loop3A_266, %parallel_loop3A_265 : i32
      %parallel_loop3A_268 = arith.index_cast %parallel_loop3A_267 : i32 to index
      %parallel_loop3A_269 = tpu.vector_load %arg7[%parallel_loop3A_268] {strides = array<i32>} : memref<16384xi32, #tpu.memory_space<vmem>>, vector<16xi32>,
      %parallel_loop3A_270 = tpu.vector_load_idx %arg6[%parallel_loop3A_269] : memref<100000xf32, #tpu.memory_space<vmem>>[vector<16xi32>], vector<16xf32>,
      %parallel_loop3A_271 = arith.constant 4096 : i32
      %parallel_loop3A_272 = arith.addi %parallel_loop3A_271, %parallel_loop3A_265 : i32
      %parallel_loop3A_273 = arith.index_cast %parallel_loop3A_272 : i32 to index
      %parallel_loop3A_274 = tpu.vector_load %arg8[%parallel_loop3A_273] {strides = array<i32>} : memref<8192xf32, #tpu.memory_space<vmem>>, vector<16xf32>,
      %parallel_loop3A_275 = arith.subf %parallel_loop3A_274, %parallel_loop3A_270 : vector<16xf32>
      %parallel_loop3A_276 = arith.mulf %parallel_loop3A_275, %parallel_loop3A_275 : vector<16xf32>
      %parallel_loop3A_277 = arith.addf %parallel_loop3A_234, %parallel_loop3A_276 : vector<16xf32>
      %parallel_loop3A_278 = arith.constant 48 : i32
      %parallel_loop3A_279 = arith.addi %parallel_loop3A_231, %parallel_loop3A_278 : i32
      %parallel_loop3A_280 = arith.constant 4096 : i32
      %parallel_loop3A_281 = arith.addi %parallel_loop3A_280, %parallel_loop3A_279 : i32
      %parallel_loop3A_282 = arith.index_cast %parallel_loop3A_281 : i32 to index
      %parallel_loop3A_283 = tpu.vector_load %arg7[%parallel_loop3A_282] {strides = array<i32>} : memref<16384xi32, #tpu.memory_space<vmem>>, vector<16xi32>,
      %parallel_loop3A_284 = tpu.vector_load_idx %arg6[%parallel_loop3A_283] : memref<100000xf32, #tpu.memory_space<vmem>>[vector<16xi32>], vector<16xf32>,
      %parallel_loop3A_285 = arith.constant 4096 : i32
      %parallel_loop3A_286 = arith.addi %parallel_loop3A_285, %parallel_loop3A_279 : i32
      %parallel_loop3A_287 = arith.index_cast %parallel_loop3A_286 : i32 to index
      %parallel_loop3A_288 = tpu.vector_load %arg8[%parallel_loop3A_287] {strides = array<i32>} : memref<8192xf32, #tpu.memory_space<vmem>>, vector<16xf32>,
      %parallel_loop3A_289 = arith.subf %parallel_loop3A_288, %parallel_loop3A_284 : vector<16xf32>
      %parallel_loop3A_290 = arith.mulf %parallel_loop3A_289, %parallel_loop3A_289 : vector<16xf32>
      %parallel_loop3A_291 = arith.addf %parallel_loop3A_235, %parallel_loop3A_290 : vector<16xf32>
      scf.yield %parallel_loop3A_249, %parallel_loop3A_263, %parallel_loop3A_277, %parallel_loop3A_291 : vector<16xf32>, vector<16xf32>, vector<16xf32>, vector<16xf32>
    } {sc.loop_unroll_factor = 2 : i64, sc.parallel_access}
    %dma_start3A_77 = arith.constant 4096 : i32
    %dma_start3A_78 = tpu.memref_slice %arg8[%dma_start3A_77] : memref<8192xf32, #tpu.memory_space<vmem>> -> memref<4096xf32, #tpu.memory_space<vmem>>
    %dma_start3A_79 = arith.constant 12288 : i32
    %dma_start3A_80 = tpu.memref_slice %arg3[%add3A_9, %dma_start3A_79] : memref<64x16384xf32, #tpu.memory_space<hbm>> -> memref<1x4096xf32, #tpu.memory_space<hbm>>
    %dma_start3A_81 = tpu.memref_squeeze %dma_start3A_80 : memref<1x4096xf32, #tpu.memory_space<hbm>> -> memref<4096xf32, #tpu.memory_space<hbm>>
    %dma_start3A_82 = arith.constant 4096 : i32
    %dma_start3A_83 = tpu.memref_slice %arg8[%dma_start3A_82] : memref<8192xf32, #tpu.memory_space<vmem>> -> memref<4096xf32, #tpu.memory_space<vmem>>
    %dma_start3A_84 = arith.constant 12288 : i32
    %dma_start3A_85 = tpu.memref_slice %arg3[%add3A_9, %dma_start3A_84] : memref<64x16384xf32, #tpu.memory_space<hbm>> -> memref<1x4096xf32, #tpu.memory_space<hbm>>
    %dma_start3A_86 = tpu.memref_squeeze %dma_start3A_85 : memref<1x4096xf32, #tpu.memory_space<hbm>> -> memref<4096xf32, #tpu.memory_space<hbm>>
    tpu.enqueue_dma source(%dma_start3A_86 : memref<4096xf32, #tpu.memory_space<hbm>>) target(%dma_start3A_83 : memref<4096xf32, #tpu.memory_space<vmem>>) target_semaphore(%arg12 : memref<!tpu.dma_semaphore, #tpu.memory_space<semaphore_mem>>)
    %dma_wait3A_87 = arith.constant 0 : i32
    %dma_wait3A_88 = tpu.memref_slice %arg8[%dma_wait3A_87] : memref<8192xf32, #tpu.memory_space<vmem>> -> memref<4096xf32, #tpu.memory_space<vmem>>
    %dma_wait3A_89 = arith.constant 8192 : i32
    %dma_wait3A_90 = tpu.memref_slice %arg3[%add3A_9, %dma_wait3A_89] : memref<64x16384xf32, #tpu.memory_space<hbm>> -> memref<1x4096xf32, #tpu.memory_space<hbm>>
    %dma_wait3A_91 = tpu.memref_squeeze %dma_wait3A_90 : memref<1x4096xf32, #tpu.memory_space<hbm>> -> memref<4096xf32, #tpu.memory_space<hbm>>
    %dma_wait3A_92 = arith.constant 0 : i32
    %dma_wait3A_93 = tpu.memref_slice %arg8[%dma_wait3A_92] : memref<8192xf32, #tpu.memory_space<vmem>> -> memref<4096xf32, #tpu.memory_space<vmem>>
    %dma_wait3A_94 = arith.constant 8192 : i32
    %dma_wait3A_95 = tpu.memref_slice %arg3[%add3A_9, %dma_wait3A_94] : memref<64x16384xf32, #tpu.memory_space<hbm>> -> memref<1x4096xf32, #tpu.memory_space<hbm>>
    %dma_wait3A_96 = tpu.memref_squeeze %dma_wait3A_95 : memref<1x4096xf32, #tpu.memory_space<hbm>> -> memref<4096xf32, #tpu.memory_space<hbm>>
    tpu.wait_dma2 semaphore(%arg12 : memref<!tpu.dma_semaphore, #tpu.memory_space<semaphore_mem>>) src(%dma_wait3A_96 : memref<4096xf32, #tpu.memory_space<hbm>>) dst(%dma_wait3A_93 : memref<4096xf32, #tpu.memory_space<vmem>>)
    %parallel_loop3A_97 = arith.constant 0 : i32
    %parallel_loop3A_98 = arith.constant 4096 : i32
    %parallel_loop3A_99 = arith.constant 64 : i32
    %parallel_loop3A_100:4 = scf.for %parallel_loop3A_231 = %parallel_loop3A_97 to %parallel_loop3A_98 step %parallel_loop3A_99 iter_args(%parallel_loop3A_232 = %parallel_loop3A_76#0, %parallel_loop3A_233 = %parallel_loop3A_76#1, %parallel_loop3A_234 = %parallel_loop3A_76#2, %parallel_loop3A_235 = %parallel_loop3A_76#3) -> (vector<16xf32>, vector<16xf32>, vector<16xf32>, vector<16xf32>)  : i32 {
      %parallel_loop3A_236 = arith.constant 0 : i32
      %parallel_loop3A_237 = arith.addi %parallel_loop3A_231, %parallel_loop3A_236 : i32
      %parallel_loop3A_238 = arith.constant 8192 : i32
      %parallel_loop3A_239 = arith.addi %parallel_loop3A_238, %parallel_loop3A_237 : i32
      %parallel_loop3A_240 = arith.index_cast %parallel_loop3A_239 : i32 to index
      %parallel_loop3A_241 = tpu.vector_load %arg7[%parallel_loop3A_240] {strides = array<i32>} : memref<16384xi32, #tpu.memory_space<vmem>>, vector<16xi32>,
      %parallel_loop3A_242 = tpu.vector_load_idx %arg6[%parallel_loop3A_241] : memref<100000xf32, #tpu.memory_space<vmem>>[vector<16xi32>], vector<16xf32>,
      %parallel_loop3A_243 = arith.constant 0 : i32
      %parallel_loop3A_244 = arith.addi %parallel_loop3A_243, %parallel_loop3A_237 : i32
      %parallel_loop3A_245 = arith.index_cast %parallel_loop3A_244 : i32 to index
      %parallel_loop3A_246 = tpu.vector_load %arg8[%parallel_loop3A_245] {strides = array<i32>} : memref<8192xf32, #tpu.memory_space<vmem>>, vector<16xf32>,
      %parallel_loop3A_247 = arith.subf %parallel_loop3A_246, %parallel_loop3A_242 : vector<16xf32>
      %parallel_loop3A_248 = arith.mulf %parallel_loop3A_247, %parallel_loop3A_247 : vector<16xf32>
      %parallel_loop3A_249 = arith.addf %parallel_loop3A_232, %parallel_loop3A_248 : vector<16xf32>
      %parallel_loop3A_250 = arith.constant 16 : i32
      %parallel_loop3A_251 = arith.addi %parallel_loop3A_231, %parallel_loop3A_250 : i32
      %parallel_loop3A_252 = arith.constant 8192 : i32
      %parallel_loop3A_253 = arith.addi %parallel_loop3A_252, %parallel_loop3A_251 : i32
      %parallel_loop3A_254 = arith.index_cast %parallel_loop3A_253 : i32 to index
      %parallel_loop3A_255 = tpu.vector_load %arg7[%parallel_loop3A_254] {strides = array<i32>} : memref<16384xi32, #tpu.memory_space<vmem>>, vector<16xi32>,
      %parallel_loop3A_256 = tpu.vector_load_idx %arg6[%parallel_loop3A_255] : memref<100000xf32, #tpu.memory_space<vmem>>[vector<16xi32>], vector<16xf32>,
      %parallel_loop3A_257 = arith.constant 0 : i32
      %parallel_loop3A_258 = arith.addi %parallel_loop3A_257, %parallel_loop3A_251 : i32
      %parallel_loop3A_259 = arith.index_cast %parallel_loop3A_258 : i32 to index
      %parallel_loop3A_260 = tpu.vector_load %arg8[%parallel_loop3A_259] {strides = array<i32>} : memref<8192xf32, #tpu.memory_space<vmem>>, vector<16xf32>,
      %parallel_loop3A_261 = arith.subf %parallel_loop3A_260, %parallel_loop3A_256 : vector<16xf32>
      %parallel_loop3A_262 = arith.mulf %parallel_loop3A_261, %parallel_loop3A_261 : vector<16xf32>
      %parallel_loop3A_263 = arith.addf %parallel_loop3A_233, %parallel_loop3A_262 : vector<16xf32>
      %parallel_loop3A_264 = arith.constant 32 : i32
      %parallel_loop3A_265 = arith.addi %parallel_loop3A_231, %parallel_loop3A_264 : i32
      %parallel_loop3A_266 = arith.constant 8192 : i32
      %parallel_loop3A_267 = arith.addi %parallel_loop3A_266, %parallel_loop3A_265 : i32
      %parallel_loop3A_268 = arith.index_cast %parallel_loop3A_267 : i32 to index
      %parallel_loop3A_269 = tpu.vector_load %arg7[%parallel_loop3A_268] {strides = array<i32>} : memref<16384xi32, #tpu.memory_space<vmem>>, vector<16xi32>,
      %parallel_loop3A_270 = tpu.vector_load_idx %arg6[%parallel_loop3A_269] : memref<100000xf32, #tpu.memory_space<vmem>>[vector<16xi32>], vector<16xf32>,
      %parallel_loop3A_271 = arith.constant 0 : i32
      %parallel_loop3A_272 = arith.addi %parallel_loop3A_271, %parallel_loop3A_265 : i32
      %parallel_loop3A_273 = arith.index_cast %parallel_loop3A_272 : i32 to index
      %parallel_loop3A_274 = tpu.vector_load %arg8[%parallel_loop3A_273] {strides = array<i32>} : memref<8192xf32, #tpu.memory_space<vmem>>, vector<16xf32>,
      %parallel_loop3A_275 = arith.subf %parallel_loop3A_274, %parallel_loop3A_270 : vector<16xf32>
      %parallel_loop3A_276 = arith.mulf %parallel_loop3A_275, %parallel_loop3A_275 : vector<16xf32>
      %parallel_loop3A_277 = arith.addf %parallel_loop3A_234, %parallel_loop3A_276 : vector<16xf32>
      %parallel_loop3A_278 = arith.constant 48 : i32
      %parallel_loop3A_279 = arith.addi %parallel_loop3A_231, %parallel_loop3A_278 : i32
      %parallel_loop3A_280 = arith.constant 8192 : i32
      %parallel_loop3A_281 = arith.addi %parallel_loop3A_280, %parallel_loop3A_279 : i32
      %parallel_loop3A_282 = arith.index_cast %parallel_loop3A_281 : i32 to index
      %parallel_loop3A_283 = tpu.vector_load %arg7[%parallel_loop3A_282] {strides = array<i32>} : memref<16384xi32, #tpu.memory_space<vmem>>, vector<16xi32>,
      %parallel_loop3A_284 = tpu.vector_load_idx %arg6[%parallel_loop3A_283] : memref<100000xf32, #tpu.memory_space<vmem>>[vector<16xi32>], vector<16xf32>,
      %parallel_loop3A_285 = arith.constant 0 : i32
      %parallel_loop3A_286 = arith.addi %parallel_loop3A_285, %parallel_loop3A_279 : i32
      %parallel_loop3A_287 = arith.index_cast %parallel_loop3A_286 : i32 to index
      %parallel_loop3A_288 = tpu.vector_load %arg8[%parallel_loop3A_287] {strides = array<i32>} : memref<8192xf32, #tpu.memory_space<vmem>>, vector<16xf32>,
      %parallel_loop3A_289 = arith.subf %parallel_loop3A_288, %parallel_loop3A_284 : vector<16xf32>
      %parallel_loop3A_290 = arith.mulf %parallel_loop3A_289, %parallel_loop3A_289 : vector<16xf32>
      %parallel_loop3A_291 = arith.addf %parallel_loop3A_235, %parallel_loop3A_290 : vector<16xf32>
      scf.yield %parallel_loop3A_249, %parallel_loop3A_263, %parallel_loop3A_277, %parallel_loop3A_291 : vector<16xf32>, vector<16xf32>, vector<16xf32>, vector<16xf32>
    } {sc.loop_unroll_factor = 2 : i64, sc.parallel_access}
    %dma_wait3A_101 = arith.constant 4096 : i32
    %dma_wait3A_102 = tpu.memref_slice %arg8[%dma_wait3A_101] : memref<8192xf32, #tpu.memory_space<vmem>> -> memref<4096xf32, #tpu.memory_space<vmem>>
    %dma_wait3A_103 = arith.constant 12288 : i32
    %dma_wait3A_104 = tpu.memref_slice %arg3[%add3A_9, %dma_wait3A_103] : memref<64x16384xf32, #tpu.memory_space<hbm>> -> memref<1x4096xf32, #tpu.memory_space<hbm>>
    %dma_wait3A_105 = tpu.memref_squeeze %dma_wait3A_104 : memref<1x4096xf32, #tpu.memory_space<hbm>> -> memref<4096xf32, #tpu.memory_space<hbm>>
    %dma_wait3A_106 = arith.constant 4096 : i32
    %dma_wait3A_107 = tpu.memref_slice %arg8[%dma_wait3A_106] : memref<8192xf32, #tpu.memory_space<vmem>> -> memref<4096xf32, #tpu.memory_space<vmem>>
    %dma_wait3A_108 = arith.constant 12288 : i32
    %dma_wait3A_109 = tpu.memref_slice %arg3[%add3A_9, %dma_wait3A_108] : memref<64x16384xf32, #tpu.memory_space<hbm>> -> memref<1x4096xf32, #tpu.memory_space<hbm>>
    %dma_wait3A_110 = tpu.memref_squeeze %dma_wait3A_109 : memref<1x4096xf32, #tpu.memory_space<hbm>> -> memref<4096xf32, #tpu.memory_space<hbm>>
    tpu.wait_dma2 semaphore(%arg12 : memref<!tpu.dma_semaphore, #tpu.memory_space<semaphore_mem>>) src(%dma_wait3A_110 : memref<4096xf32, #tpu.memory_space<hbm>>) dst(%dma_wait3A_107 : memref<4096xf32, #tpu.memory_space<vmem>>)
    %parallel_loop3A_111 = arith.constant 0 : i32
    %parallel_loop3A_112 = arith.constant 4096 : i32
    %parallel_loop3A_113 = arith.constant 64 : i32
    %parallel_loop3A_114:4 = scf.for %parallel_loop3A_231 = %parallel_loop3A_111 to %parallel_loop3A_112 step %parallel_loop3A_113 iter_args(%parallel_loop3A_232 = %parallel_loop3A_100#0, %parallel_loop3A_233 = %parallel_loop3A_100#1, %parallel_loop3A_234 = %parallel_loop3A_100#2, %parallel_loop3A_235 = %parallel_loop3A_100#3) -> (vector<16xf32>, vector<16xf32>, vector<16xf32>, vector<16xf32>)  : i32 {
      %parallel_loop3A_236 = arith.constant 0 : i32
      %parallel_loop3A_237 = arith.addi %parallel_loop3A_231, %parallel_loop3A_236 : i32
      %parallel_loop3A_238 = arith.constant 12288 : i32
      %parallel_loop3A_239 = arith.addi %parallel_loop3A_238, %parallel_loop3A_237 : i32
      %parallel_loop3A_240 = arith.index_cast %parallel_loop3A_239 : i32 to index
      %parallel_loop3A_241 = tpu.vector_load %arg7[%parallel_loop3A_240] {strides = array<i32>} : memref<16384xi32, #tpu.memory_space<vmem>>, vector<16xi32>,
      %parallel_loop3A_242 = tpu.vector_load_idx %arg6[%parallel_loop3A_241] : memref<100000xf32, #tpu.memory_space<vmem>>[vector<16xi32>], vector<16xf32>,
      %parallel_loop3A_243 = arith.constant 4096 : i32
      %parallel_loop3A_244 = arith.addi %parallel_loop3A_243, %parallel_loop3A_237 : i32
      %parallel_loop3A_245 = arith.index_cast %parallel_loop3A_244 : i32 to index
      %parallel_loop3A_246 = tpu.vector_load %arg8[%parallel_loop3A_245] {strides = array<i32>} : memref<8192xf32, #tpu.memory_space<vmem>>, vector<16xf32>,
      %parallel_loop3A_247 = arith.subf %parallel_loop3A_246, %parallel_loop3A_242 : vector<16xf32>
      %parallel_loop3A_248 = arith.mulf %parallel_loop3A_247, %parallel_loop3A_247 : vector<16xf32>
      %parallel_loop3A_249 = arith.addf %parallel_loop3A_232, %parallel_loop3A_248 : vector<16xf32>
      %parallel_loop3A_250 = arith.constant 16 : i32
      %parallel_loop3A_251 = arith.addi %parallel_loop3A_231, %parallel_loop3A_250 : i32
      %parallel_loop3A_252 = arith.constant 12288 : i32
      %parallel_loop3A_253 = arith.addi %parallel_loop3A_252, %parallel_loop3A_251 : i32
      %parallel_loop3A_254 = arith.index_cast %parallel_loop3A_253 : i32 to index
      %parallel_loop3A_255 = tpu.vector_load %arg7[%parallel_loop3A_254] {strides = array<i32>} : memref<16384xi32, #tpu.memory_space<vmem>>, vector<16xi32>,
      %parallel_loop3A_256 = tpu.vector_load_idx %arg6[%parallel_loop3A_255] : memref<100000xf32, #tpu.memory_space<vmem>>[vector<16xi32>], vector<16xf32>,
      %parallel_loop3A_257 = arith.constant 4096 : i32
      %parallel_loop3A_258 = arith.addi %parallel_loop3A_257, %parallel_loop3A_251 : i32
      %parallel_loop3A_259 = arith.index_cast %parallel_loop3A_258 : i32 to index
      %parallel_loop3A_260 = tpu.vector_load %arg8[%parallel_loop3A_259] {strides = array<i32>} : memref<8192xf32, #tpu.memory_space<vmem>>, vector<16xf32>,
      %parallel_loop3A_261 = arith.subf %parallel_loop3A_260, %parallel_loop3A_256 : vector<16xf32>
      %parallel_loop3A_262 = arith.mulf %parallel_loop3A_261, %parallel_loop3A_261 : vector<16xf32>
      %parallel_loop3A_263 = arith.addf %parallel_loop3A_233, %parallel_loop3A_262 : vector<16xf32>
      %parallel_loop3A_264 = arith.constant 32 : i32
      %parallel_loop3A_265 = arith.addi %parallel_loop3A_231, %parallel_loop3A_264 : i32
      %parallel_loop3A_266 = arith.constant 12288 : i32
      %parallel_loop3A_267 = arith.addi %parallel_loop3A_266, %parallel_loop3A_265 : i32
      %parallel_loop3A_268 = arith.index_cast %parallel_loop3A_267 : i32 to index
      %parallel_loop3A_269 = tpu.vector_load %arg7[%parallel_loop3A_268] {strides = array<i32>} : memref<16384xi32, #tpu.memory_space<vmem>>, vector<16xi32>,
      %parallel_loop3A_270 = tpu.vector_load_idx %arg6[%parallel_loop3A_269] : memref<100000xf32, #tpu.memory_space<vmem>>[vector<16xi32>], vector<16xf32>,
      %parallel_loop3A_271 = arith.constant 4096 : i32
      %parallel_loop3A_272 = arith.addi %parallel_loop3A_271, %parallel_loop3A_265 : i32
      %parallel_loop3A_273 = arith.index_cast %parallel_loop3A_272 : i32 to index
      %parallel_loop3A_274 = tpu.vector_load %arg8[%parallel_loop3A_273] {strides = array<i32>} : memref<8192xf32, #tpu.memory_space<vmem>>, vector<16xf32>,
      %parallel_loop3A_275 = arith.subf %parallel_loop3A_274, %parallel_loop3A_270 : vector<16xf32>
      %parallel_loop3A_276 = arith.mulf %parallel_loop3A_275, %parallel_loop3A_275 : vector<16xf32>
      %parallel_loop3A_277 = arith.addf %parallel_loop3A_234, %parallel_loop3A_276 : vector<16xf32>
      %parallel_loop3A_278 = arith.constant 48 : i32
      %parallel_loop3A_279 = arith.addi %parallel_loop3A_231, %parallel_loop3A_278 : i32
      %parallel_loop3A_280 = arith.constant 12288 : i32
      %parallel_loop3A_281 = arith.addi %parallel_loop3A_280, %parallel_loop3A_279 : i32
      %parallel_loop3A_282 = arith.index_cast %parallel_loop3A_281 : i32 to index
      %parallel_loop3A_283 = tpu.vector_load %arg7[%parallel_loop3A_282] {strides = array<i32>} : memref<16384xi32, #tpu.memory_space<vmem>>, vector<16xi32>,
      %parallel_loop3A_284 = tpu.vector_load_idx %arg6[%parallel_loop3A_283] : memref<100000xf32, #tpu.memory_space<vmem>>[vector<16xi32>], vector<16xf32>,
      %parallel_loop3A_285 = arith.constant 4096 : i32
      %parallel_loop3A_286 = arith.addi %parallel_loop3A_285, %parallel_loop3A_279 : i32
      %parallel_loop3A_287 = arith.index_cast %parallel_loop3A_286 : i32 to index
      %parallel_loop3A_288 = tpu.vector_load %arg8[%parallel_loop3A_287] {strides = array<i32>} : memref<8192xf32, #tpu.memory_space<vmem>>, vector<16xf32>,
      %parallel_loop3A_289 = arith.subf %parallel_loop3A_288, %parallel_loop3A_284 : vector<16xf32>
      %parallel_loop3A_290 = arith.mulf %parallel_loop3A_289, %parallel_loop3A_289 : vector<16xf32>
      %parallel_loop3A_291 = arith.addf %parallel_loop3A_235, %parallel_loop3A_290 : vector<16xf32>
      scf.yield %parallel_loop3A_249, %parallel_loop3A_263, %parallel_loop3A_277, %parallel_loop3A_291 : vector<16xf32>, vector<16xf32>, vector<16xf32>, vector<16xf32>
    } {sc.loop_unroll_factor = 2 : i64, sc.parallel_access}
    %add3A_115 = arith.constant 32 : i32
    %add3A_116 = arith.addi %add3A, %add3A_115 : i32
    %dma_start3A_117 = arith.constant 0 : i32
    %dma_start3A_118 = tpu.memref_slice %arg4[%add3A_116, %dma_start3A_117] : memref<64x100000xf32, #tpu.memory_space<hbm>> -> memref<1x100000xf32, #tpu.memory_space<hbm>>
    %dma_start3A_119 = tpu.memref_squeeze %dma_start3A_118 : memref<1x100000xf32, #tpu.memory_space<hbm>> -> memref<100000xf32, #tpu.memory_space<hbm>>
    %dma_start3A_120 = arith.constant 0 : i32
    %dma_start3A_121 = tpu.memref_slice %arg4[%add3A_116, %dma_start3A_120] : memref<64x100000xf32, #tpu.memory_space<hbm>> -> memref<1x100000xf32, #tpu.memory_space<hbm>>
    %dma_start3A_122 = tpu.memref_squeeze %dma_start3A_121 : memref<1x100000xf32, #tpu.memory_space<hbm>> -> memref<100000xf32, #tpu.memory_space<hbm>>
    tpu.enqueue_dma source(%dma_start3A_122 : memref<100000xf32, #tpu.memory_space<hbm>>) target(%arg6 : memref<100000xf32, #tpu.memory_space<vmem>>) target_semaphore(%arg10 : memref<!tpu.dma_semaphore, #tpu.memory_space<semaphore_mem>>)
    %dma_start3A_123 = arith.constant 0 : i32
    %dma_start3A_124 = tpu.memref_slice %arg8[%dma_start3A_123] : memref<8192xf32, #tpu.memory_space<vmem>> -> memref<4096xf32, #tpu.memory_space<vmem>>
    %dma_start3A_125 = arith.constant 0 : i32
    %dma_start3A_126 = tpu.memref_slice %arg3[%add3A_116, %dma_start3A_125] : memref<64x16384xf32, #tpu.memory_space<hbm>> -> memref<1x4096xf32, #tpu.memory_space<hbm>>
    %dma_start3A_127 = tpu.memref_squeeze %dma_start3A_126 : memref<1x4096xf32, #tpu.memory_space<hbm>> -> memref<4096xf32, #tpu.memory_space<hbm>>
    %dma_start3A_128 = arith.constant 0 : i32
    %dma_start3A_129 = tpu.memref_slice %arg8[%dma_start3A_128] : memref<8192xf32, #tpu.memory_space<vmem>> -> memref<4096xf32, #tpu.memory_space<vmem>>
    %dma_start3A_130 = arith.constant 0 : i32
    %dma_start3A_131 = tpu.memref_slice %arg3[%add3A_116, %dma_start3A_130] : memref<64x16384xf32, #tpu.memory_space<hbm>> -> memref<1x4096xf32, #tpu.memory_space<hbm>>
    %dma_start3A_132 = tpu.memref_squeeze %dma_start3A_131 : memref<1x4096xf32, #tpu.memory_space<hbm>> -> memref<4096xf32, #tpu.memory_space<hbm>>
    tpu.enqueue_dma source(%dma_start3A_132 : memref<4096xf32, #tpu.memory_space<hbm>>) target(%dma_start3A_129 : memref<4096xf32, #tpu.memory_space<vmem>>) target_semaphore(%arg12 : memref<!tpu.dma_semaphore, #tpu.memory_space<semaphore_mem>>)
    %dma_wait3A_133 = arith.constant 0 : i32
    %dma_wait3A_134 = tpu.memref_slice %arg4[%add3A_116, %dma_wait3A_133] : memref<64x100000xf32, #tpu.memory_space<hbm>> -> memref<1x100000xf32, #tpu.memory_space<hbm>>
    %dma_wait3A_135 = tpu.memref_squeeze %dma_wait3A_134 : memref<1x100000xf32, #tpu.memory_space<hbm>> -> memref<100000xf32, #tpu.memory_space<hbm>>
    %dma_wait3A_136 = arith.constant 0 : i32
    %dma_wait3A_137 = tpu.memref_slice %arg4[%add3A_116, %dma_wait3A_136] : memref<64x100000xf32, #tpu.memory_space<hbm>> -> memref<1x100000xf32, #tpu.memory_space<hbm>>
    %dma_wait3A_138 = tpu.memref_squeeze %dma_wait3A_137 : memref<1x100000xf32, #tpu.memory_space<hbm>> -> memref<100000xf32, #tpu.memory_space<hbm>>
    tpu.wait_dma2 semaphore(%arg10 : memref<!tpu.dma_semaphore, #tpu.memory_space<semaphore_mem>>) src(%dma_wait3A_138 : memref<100000xf32, #tpu.memory_space<hbm>>) dst(%arg6 : memref<100000xf32, #tpu.memory_space<vmem>>)
    %dma_start3A_139 = arith.constant 4096 : i32
    %dma_start3A_140 = tpu.memref_slice %arg8[%dma_start3A_139] : memref<8192xf32, #tpu.memory_space<vmem>> -> memref<4096xf32, #tpu.memory_space<vmem>>
    %dma_start3A_141 = arith.constant 4096 : i32
    %dma_start3A_142 = tpu.memref_slice %arg3[%add3A_116, %dma_start3A_141] : memref<64x16384xf32, #tpu.memory_space<hbm>> -> memref<1x4096xf32, #tpu.memory_space<hbm>>
    %dma_start3A_143 = tpu.memref_squeeze %dma_start3A_142 : memref<1x4096xf32, #tpu.memory_space<hbm>> -> memref<4096xf32, #tpu.memory_space<hbm>>
    %dma_start3A_144 = arith.constant 4096 : i32
    %dma_start3A_145 = tpu.memref_slice %arg8[%dma_start3A_144] : memref<8192xf32, #tpu.memory_space<vmem>> -> memref<4096xf32, #tpu.memory_space<vmem>>
    %dma_start3A_146 = arith.constant 4096 : i32
    %dma_start3A_147 = tpu.memref_slice %arg3[%add3A_116, %dma_start3A_146] : memref<64x16384xf32, #tpu.memory_space<hbm>> -> memref<1x4096xf32, #tpu.memory_space<hbm>>
    %dma_start3A_148 = tpu.memref_squeeze %dma_start3A_147 : memref<1x4096xf32, #tpu.memory_space<hbm>> -> memref<4096xf32, #tpu.memory_space<hbm>>
    tpu.enqueue_dma source(%dma_start3A_148 : memref<4096xf32, #tpu.memory_space<hbm>>) target(%dma_start3A_145 : memref<4096xf32, #tpu.memory_space<vmem>>) target_semaphore(%arg12 : memref<!tpu.dma_semaphore, #tpu.memory_space<semaphore_mem>>)
    %dma_wait3A_149 = arith.constant 0 : i32
    %dma_wait3A_150 = tpu.memref_slice %arg8[%dma_wait3A_149] : memref<8192xf32, #tpu.memory_space<vmem>> -> memref<4096xf32, #tpu.memory_space<vmem>>
    %dma_wait3A_151 = arith.constant 0 : i32
    %dma_wait3A_152 = tpu.memref_slice %arg3[%add3A_116, %dma_wait3A_151] : memref<64x16384xf32, #tpu.memory_space<hbm>> -> memref<1x4096xf32, #tpu.memory_space<hbm>>
    %dma_wait3A_153 = tpu.memref_squeeze %dma_wait3A_152 : memref<1x4096xf32, #tpu.memory_space<hbm>> -> memref<4096xf32, #tpu.memory_space<hbm>>
    %dma_wait3A_154 = arith.constant 0 : i32
    %dma_wait3A_155 = tpu.memref_slice %arg8[%dma_wait3A_154] : memref<8192xf32, #tpu.memory_space<vmem>> -> memref<4096xf32, #tpu.memory_space<vmem>>
    %dma_wait3A_156 = arith.constant 0 : i32
    %dma_wait3A_157 = tpu.memref_slice %arg3[%add3A_116, %dma_wait3A_156] : memref<64x16384xf32, #tpu.memory_space<hbm>> -> memref<1x4096xf32, #tpu.memory_space<hbm>>
    %dma_wait3A_158 = tpu.memref_squeeze %dma_wait3A_157 : memref<1x4096xf32, #tpu.memory_space<hbm>> -> memref<4096xf32, #tpu.memory_space<hbm>>
    tpu.wait_dma2 semaphore(%arg12 : memref<!tpu.dma_semaphore, #tpu.memory_space<semaphore_mem>>) src(%dma_wait3A_158 : memref<4096xf32, #tpu.memory_space<hbm>>) dst(%dma_wait3A_155 : memref<4096xf32, #tpu.memory_space<vmem>>)
    %parallel_loop3A_159 = arith.constant 0 : i32
    %parallel_loop3A_160 = arith.constant 4096 : i32
    %parallel_loop3A_161 = arith.constant 64 : i32
    %parallel_loop3A_162:4 = scf.for %parallel_loop3A_231 = %parallel_loop3A_159 to %parallel_loop3A_160 step %parallel_loop3A_161 iter_args(%parallel_loop3A_232 = %parallel_loop3A_114#0, %parallel_loop3A_233 = %parallel_loop3A_114#1, %parallel_loop3A_234 = %parallel_loop3A_114#2, %parallel_loop3A_235 = %parallel_loop3A_114#3) -> (vector<16xf32>, vector<16xf32>, vector<16xf32>, vector<16xf32>)  : i32 {
      %parallel_loop3A_236 = arith.constant 0 : i32
      %parallel_loop3A_237 = arith.addi %parallel_loop3A_231, %parallel_loop3A_236 : i32
      %parallel_loop3A_238 = arith.constant 0 : i32
      %parallel_loop3A_239 = arith.addi %parallel_loop3A_238, %parallel_loop3A_237 : i32
      %parallel_loop3A_240 = arith.index_cast %parallel_loop3A_239 : i32 to index
      %parallel_loop3A_241 = tpu.vector_load %arg7[%parallel_loop3A_240] {strides = array<i32>} : memref<16384xi32, #tpu.memory_space<vmem>>, vector<16xi32>,
      %parallel_loop3A_242 = tpu.vector_load_idx %arg6[%parallel_loop3A_241] : memref<100000xf32, #tpu.memory_space<vmem>>[vector<16xi32>], vector<16xf32>,
      %parallel_loop3A_243 = arith.constant 0 : i32
      %parallel_loop3A_244 = arith.addi %parallel_loop3A_243, %parallel_loop3A_237 : i32
      %parallel_loop3A_245 = arith.index_cast %parallel_loop3A_244 : i32 to index
      %parallel_loop3A_246 = tpu.vector_load %arg8[%parallel_loop3A_245] {strides = array<i32>} : memref<8192xf32, #tpu.memory_space<vmem>>, vector<16xf32>,
      %parallel_loop3A_247 = arith.subf %parallel_loop3A_246, %parallel_loop3A_242 : vector<16xf32>
      %parallel_loop3A_248 = arith.mulf %parallel_loop3A_247, %parallel_loop3A_247 : vector<16xf32>
      %parallel_loop3A_249 = arith.addf %parallel_loop3A_232, %parallel_loop3A_248 : vector<16xf32>
      %parallel_loop3A_250 = arith.constant 16 : i32
      %parallel_loop3A_251 = arith.addi %parallel_loop3A_231, %parallel_loop3A_250 : i32
      %parallel_loop3A_252 = arith.constant 0 : i32
      %parallel_loop3A_253 = arith.addi %parallel_loop3A_252, %parallel_loop3A_251 : i32
      %parallel_loop3A_254 = arith.index_cast %parallel_loop3A_253 : i32 to index
      %parallel_loop3A_255 = tpu.vector_load %arg7[%parallel_loop3A_254] {strides = array<i32>} : memref<16384xi32, #tpu.memory_space<vmem>>, vector<16xi32>,
      %parallel_loop3A_256 = tpu.vector_load_idx %arg6[%parallel_loop3A_255] : memref<100000xf32, #tpu.memory_space<vmem>>[vector<16xi32>], vector<16xf32>,
      %parallel_loop3A_257 = arith.constant 0 : i32
      %parallel_loop3A_258 = arith.addi %parallel_loop3A_257, %parallel_loop3A_251 : i32
      %parallel_loop3A_259 = arith.index_cast %parallel_loop3A_258 : i32 to index
      %parallel_loop3A_260 = tpu.vector_load %arg8[%parallel_loop3A_259] {strides = array<i32>} : memref<8192xf32, #tpu.memory_space<vmem>>, vector<16xf32>,
      %parallel_loop3A_261 = arith.subf %parallel_loop3A_260, %parallel_loop3A_256 : vector<16xf32>
      %parallel_loop3A_262 = arith.mulf %parallel_loop3A_261, %parallel_loop3A_261 : vector<16xf32>
      %parallel_loop3A_263 = arith.addf %parallel_loop3A_233, %parallel_loop3A_262 : vector<16xf32>
      %parallel_loop3A_264 = arith.constant 32 : i32
      %parallel_loop3A_265 = arith.addi %parallel_loop3A_231, %parallel_loop3A_264 : i32
      %parallel_loop3A_266 = arith.constant 0 : i32
      %parallel_loop3A_267 = arith.addi %parallel_loop3A_266, %parallel_loop3A_265 : i32
      %parallel_loop3A_268 = arith.index_cast %parallel_loop3A_267 : i32 to index
      %parallel_loop3A_269 = tpu.vector_load %arg7[%parallel_loop3A_268] {strides = array<i32>} : memref<16384xi32, #tpu.memory_space<vmem>>, vector<16xi32>,
      %parallel_loop3A_270 = tpu.vector_load_idx %arg6[%parallel_loop3A_269] : memref<100000xf32, #tpu.memory_space<vmem>>[vector<16xi32>], vector<16xf32>,
      %parallel_loop3A_271 = arith.constant 0 : i32
      %parallel_loop3A_272 = arith.addi %parallel_loop3A_271, %parallel_loop3A_265 : i32
      %parallel_loop3A_273 = arith.index_cast %parallel_loop3A_272 : i32 to index
      %parallel_loop3A_274 = tpu.vector_load %arg8[%parallel_loop3A_273] {strides = array<i32>} : memref<8192xf32, #tpu.memory_space<vmem>>, vector<16xf32>,
      %parallel_loop3A_275 = arith.subf %parallel_loop3A_274, %parallel_loop3A_270 : vector<16xf32>
      %parallel_loop3A_276 = arith.mulf %parallel_loop3A_275, %parallel_loop3A_275 : vector<16xf32>
      %parallel_loop3A_277 = arith.addf %parallel_loop3A_234, %parallel_loop3A_276 : vector<16xf32>
      %parallel_loop3A_278 = arith.constant 48 : i32
      %parallel_loop3A_279 = arith.addi %parallel_loop3A_231, %parallel_loop3A_278 : i32
      %parallel_loop3A_280 = arith.constant 0 : i32
      %parallel_loop3A_281 = arith.addi %parallel_loop3A_280, %parallel_loop3A_279 : i32
      %parallel_loop3A_282 = arith.index_cast %parallel_loop3A_281 : i32 to index
      %parallel_loop3A_283 = tpu.vector_load %arg7[%parallel_loop3A_282] {strides = array<i32>} : memref<16384xi32, #tpu.memory_space<vmem>>, vector<16xi32>,
      %parallel_loop3A_284 = tpu.vector_load_idx %arg6[%parallel_loop3A_283] : memref<100000xf32, #tpu.memory_space<vmem>>[vector<16xi32>], vector<16xf32>,
      %parallel_loop3A_285 = arith.constant 0 : i32
      %parallel_loop3A_286 = arith.addi %parallel_loop3A_285, %parallel_loop3A_279 : i32
      %parallel_loop3A_287 = arith.index_cast %parallel_loop3A_286 : i32 to index
      %parallel_loop3A_288 = tpu.vector_load %arg8[%parallel_loop3A_287] {strides = array<i32>} : memref<8192xf32, #tpu.memory_space<vmem>>, vector<16xf32>,
      %parallel_loop3A_289 = arith.subf %parallel_loop3A_288, %parallel_loop3A_284 : vector<16xf32>
      %parallel_loop3A_290 = arith.mulf %parallel_loop3A_289, %parallel_loop3A_289 : vector<16xf32>
      %parallel_loop3A_291 = arith.addf %parallel_loop3A_235, %parallel_loop3A_290 : vector<16xf32>
      scf.yield %parallel_loop3A_249, %parallel_loop3A_263, %parallel_loop3A_277, %parallel_loop3A_291 : vector<16xf32>, vector<16xf32>, vector<16xf32>, vector<16xf32>
    } {sc.loop_unroll_factor = 2 : i64, sc.parallel_access}
    %dma_start3A_163 = arith.constant 0 : i32
    %dma_start3A_164 = tpu.memref_slice %arg8[%dma_start3A_163] : memref<8192xf32, #tpu.memory_space<vmem>> -> memref<4096xf32, #tpu.memory_space<vmem>>
    %dma_start3A_165 = arith.constant 8192 : i32
    %dma_start3A_166 = tpu.memref_slice %arg3[%add3A_116, %dma_start3A_165] : memref<64x16384xf32, #tpu.memory_space<hbm>> -> memref<1x4096xf32, #tpu.memory_space<hbm>>
    %dma_start3A_167 = tpu.memref_squeeze %dma_start3A_166 : memref<1x4096xf32, #tpu.memory_space<hbm>> -> memref<4096xf32, #tpu.memory_space<hbm>>
    %dma_start3A_168 = arith.constant 0 : i32
    %dma_start3A_169 = tpu.memref_slice %arg8[%dma_start3A_168] : memref<8192xf32, #tpu.memory_space<vmem>> -> memref<4096xf32, #tpu.memory_space<vmem>>
    %dma_start3A_170 = arith.constant 8192 : i32
    %dma_start3A_171 = tpu.memref_slice %arg3[%add3A_116, %dma_start3A_170] : memref<64x16384xf32, #tpu.memory_space<hbm>> -> memref<1x4096xf32, #tpu.memory_space<hbm>>
    %dma_start3A_172 = tpu.memref_squeeze %dma_start3A_171 : memref<1x4096xf32, #tpu.memory_space<hbm>> -> memref<4096xf32, #tpu.memory_space<hbm>>
    tpu.enqueue_dma source(%dma_start3A_172 : memref<4096xf32, #tpu.memory_space<hbm>>) target(%dma_start3A_169 : memref<4096xf32, #tpu.memory_space<vmem>>) target_semaphore(%arg12 : memref<!tpu.dma_semaphore, #tpu.memory_space<semaphore_mem>>)
    %dma_wait3A_173 = arith.constant 4096 : i32
    %dma_wait3A_174 = tpu.memref_slice %arg8[%dma_wait3A_173] : memref<8192xf32, #tpu.memory_space<vmem>> -> memref<4096xf32, #tpu.memory_space<vmem>>
    %dma_wait3A_175 = arith.constant 4096 : i32
    %dma_wait3A_176 = tpu.memref_slice %arg3[%add3A_116, %dma_wait3A_175] : memref<64x16384xf32, #tpu.memory_space<hbm>> -> memref<1x4096xf32, #tpu.memory_space<hbm>>
    %dma_wait3A_177 = tpu.memref_squeeze %dma_wait3A_176 : memref<1x4096xf32, #tpu.memory_space<hbm>> -> memref<4096xf32, #tpu.memory_space<hbm>>
    %dma_wait3A_178 = arith.constant 4096 : i32
    %dma_wait3A_179 = tpu.memref_slice %arg8[%dma_wait3A_178] : memref<8192xf32, #tpu.memory_space<vmem>> -> memref<4096xf32, #tpu.memory_space<vmem>>
    %dma_wait3A_180 = arith.constant 4096 : i32
    %dma_wait3A_181 = tpu.memref_slice %arg3[%add3A_116, %dma_wait3A_180] : memref<64x16384xf32, #tpu.memory_space<hbm>> -> memref<1x4096xf32, #tpu.memory_space<hbm>>
    %dma_wait3A_182 = tpu.memref_squeeze %dma_wait3A_181 : memref<1x4096xf32, #tpu.memory_space<hbm>> -> memref<4096xf32, #tpu.memory_space<hbm>>
    tpu.wait_dma2 semaphore(%arg12 : memref<!tpu.dma_semaphore, #tpu.memory_space<semaphore_mem>>) src(%dma_wait3A_182 : memref<4096xf32, #tpu.memory_space<hbm>>) dst(%dma_wait3A_179 : memref<4096xf32, #tpu.memory_space<vmem>>)
    %parallel_loop3A_183 = arith.constant 0 : i32
    %parallel_loop3A_184 = arith.constant 4096 : i32
    %parallel_loop3A_185 = arith.constant 64 : i32
    %parallel_loop3A_186:4 = scf.for %parallel_loop3A_231 = %parallel_loop3A_183 to %parallel_loop3A_184 step %parallel_loop3A_185 iter_args(%parallel_loop3A_232 = %parallel_loop3A_162#0, %parallel_loop3A_233 = %parallel_loop3A_162#1, %parallel_loop3A_234 = %parallel_loop3A_162#2, %parallel_loop3A_235 = %parallel_loop3A_162#3) -> (vector<16xf32>, vector<16xf32>, vector<16xf32>, vector<16xf32>)  : i32 {
      %parallel_loop3A_236 = arith.constant 0 : i32
      %parallel_loop3A_237 = arith.addi %parallel_loop3A_231, %parallel_loop3A_236 : i32
      %parallel_loop3A_238 = arith.constant 4096 : i32
      %parallel_loop3A_239 = arith.addi %parallel_loop3A_238, %parallel_loop3A_237 : i32
      %parallel_loop3A_240 = arith.index_cast %parallel_loop3A_239 : i32 to index
      %parallel_loop3A_241 = tpu.vector_load %arg7[%parallel_loop3A_240] {strides = array<i32>} : memref<16384xi32, #tpu.memory_space<vmem>>, vector<16xi32>,
      %parallel_loop3A_242 = tpu.vector_load_idx %arg6[%parallel_loop3A_241] : memref<100000xf32, #tpu.memory_space<vmem>>[vector<16xi32>], vector<16xf32>,
      %parallel_loop3A_243 = arith.constant 4096 : i32
      %parallel_loop3A_244 = arith.addi %parallel_loop3A_243, %parallel_loop3A_237 : i32
      %parallel_loop3A_245 = arith.index_cast %parallel_loop3A_244 : i32 to index
      %parallel_loop3A_246 = tpu.vector_load %arg8[%parallel_loop3A_245] {strides = array<i32>} : memref<8192xf32, #tpu.memory_space<vmem>>, vector<16xf32>,
      %parallel_loop3A_247 = arith.subf %parallel_loop3A_246, %parallel_loop3A_242 : vector<16xf32>
      %parallel_loop3A_248 = arith.mulf %parallel_loop3A_247, %parallel_loop3A_247 : vector<16xf32>
      %parallel_loop3A_249 = arith.addf %parallel_loop3A_232, %parallel_loop3A_248 : vector<16xf32>
      %parallel_loop3A_250 = arith.constant 16 : i32
      %parallel_loop3A_251 = arith.addi %parallel_loop3A_231, %parallel_loop3A_250 : i32
      %parallel_loop3A_252 = arith.constant 4096 : i32
      %parallel_loop3A_253 = arith.addi %parallel_loop3A_252, %parallel_loop3A_251 : i32
      %parallel_loop3A_254 = arith.index_cast %parallel_loop3A_253 : i32 to index
      %parallel_loop3A_255 = tpu.vector_load %arg7[%parallel_loop3A_254] {strides = array<i32>} : memref<16384xi32, #tpu.memory_space<vmem>>, vector<16xi32>,
      %parallel_loop3A_256 = tpu.vector_load_idx %arg6[%parallel_loop3A_255] : memref<100000xf32, #tpu.memory_space<vmem>>[vector<16xi32>], vector<16xf32>,
      %parallel_loop3A_257 = arith.constant 4096 : i32
      %parallel_loop3A_258 = arith.addi %parallel_loop3A_257, %parallel_loop3A_251 : i32
      %parallel_loop3A_259 = arith.index_cast %parallel_loop3A_258 : i32 to index
      %parallel_loop3A_260 = tpu.vector_load %arg8[%parallel_loop3A_259] {strides = array<i32>} : memref<8192xf32, #tpu.memory_space<vmem>>, vector<16xf32>,
      %parallel_loop3A_261 = arith.subf %parallel_loop3A_260, %parallel_loop3A_256 : vector<16xf32>
      %parallel_loop3A_262 = arith.mulf %parallel_loop3A_261, %parallel_loop3A_261 : vector<16xf32>
      %parallel_loop3A_263 = arith.addf %parallel_loop3A_233, %parallel_loop3A_262 : vector<16xf32>
      %parallel_loop3A_264 = arith.constant 32 : i32
      %parallel_loop3A_265 = arith.addi %parallel_loop3A_231, %parallel_loop3A_264 : i32
      %parallel_loop3A_266 = arith.constant 4096 : i32
      %parallel_loop3A_267 = arith.addi %parallel_loop3A_266, %parallel_loop3A_265 : i32
      %parallel_loop3A_268 = arith.index_cast %parallel_loop3A_267 : i32 to index
      %parallel_loop3A_269 = tpu.vector_load %arg7[%parallel_loop3A_268] {strides = array<i32>} : memref<16384xi32, #tpu.memory_space<vmem>>, vector<16xi32>,
      %parallel_loop3A_270 = tpu.vector_load_idx %arg6[%parallel_loop3A_269] : memref<100000xf32, #tpu.memory_space<vmem>>[vector<16xi32>], vector<16xf32>,
      %parallel_loop3A_271 = arith.constant 4096 : i32
      %parallel_loop3A_272 = arith.addi %parallel_loop3A_271, %parallel_loop3A_265 : i32
      %parallel_loop3A_273 = arith.index_cast %parallel_loop3A_272 : i32 to index
      %parallel_loop3A_274 = tpu.vector_load %arg8[%parallel_loop3A_273] {strides = array<i32>} : memref<8192xf32, #tpu.memory_space<vmem>>, vector<16xf32>,
      %parallel_loop3A_275 = arith.subf %parallel_loop3A_274, %parallel_loop3A_270 : vector<16xf32>
      %parallel_loop3A_276 = arith.mulf %parallel_loop3A_275, %parallel_loop3A_275 : vector<16xf32>
      %parallel_loop3A_277 = arith.addf %parallel_loop3A_234, %parallel_loop3A_276 : vector<16xf32>
      %parallel_loop3A_278 = arith.constant 48 : i32
      %parallel_loop3A_279 = arith.addi %parallel_loop3A_231, %parallel_loop3A_278 : i32
      %parallel_loop3A_280 = arith.constant 4096 : i32
      %parallel_loop3A_281 = arith.addi %parallel_loop3A_280, %parallel_loop3A_279 : i32
      %parallel_loop3A_282 = arith.index_cast %parallel_loop3A_281 : i32 to index
      %parallel_loop3A_283 = tpu.vector_load %arg7[%parallel_loop3A_282] {strides = array<i32>} : memref<16384xi32, #tpu.memory_space<vmem>>, vector<16xi32>,
      %parallel_loop3A_284 = tpu.vector_load_idx %arg6[%parallel_loop3A_283] : memref<100000xf32, #tpu.memory_space<vmem>>[vector<16xi32>], vector<16xf32>,
      %parallel_loop3A_285 = arith.constant 4096 : i32
      %parallel_loop3A_286 = arith.addi %parallel_loop3A_285, %parallel_loop3A_279 : i32
      %parallel_loop3A_287 = arith.index_cast %parallel_loop3A_286 : i32 to index
      %parallel_loop3A_288 = tpu.vector_load %arg8[%parallel_loop3A_287] {strides = array<i32>} : memref<8192xf32, #tpu.memory_space<vmem>>, vector<16xf32>,
      %parallel_loop3A_289 = arith.subf %parallel_loop3A_288, %parallel_loop3A_284 : vector<16xf32>
      %parallel_loop3A_290 = arith.mulf %parallel_loop3A_289, %parallel_loop3A_289 : vector<16xf32>
      %parallel_loop3A_291 = arith.addf %parallel_loop3A_235, %parallel_loop3A_290 : vector<16xf32>
      scf.yield %parallel_loop3A_249, %parallel_loop3A_263, %parallel_loop3A_277, %parallel_loop3A_291 : vector<16xf32>, vector<16xf32>, vector<16xf32>, vector<16xf32>
    } {sc.loop_unroll_factor = 2 : i64, sc.parallel_access}
    %dma_start3A_187 = arith.constant 4096 : i32
    %dma_start3A_188 = tpu.memref_slice %arg8[%dma_start3A_187] : memref<8192xf32, #tpu.memory_space<vmem>> -> memref<4096xf32, #tpu.memory_space<vmem>>
    %dma_start3A_189 = arith.constant 12288 : i32
    %dma_start3A_190 = tpu.memref_slice %arg3[%add3A_116, %dma_start3A_189] : memref<64x16384xf32, #tpu.memory_space<hbm>> -> memref<1x4096xf32, #tpu.memory_space<hbm>>
    %dma_start3A_191 = tpu.memref_squeeze %dma_start3A_190 : memref<1x4096xf32, #tpu.memory_space<hbm>> -> memref<4096xf32, #tpu.memory_space<hbm>>
    %dma_start3A_192 = arith.constant 4096 : i32
    %dma_start3A_193 = tpu.memref_slice %arg8[%dma_start3A_192] : memref<8192xf32, #tpu.memory_space<vmem>> -> memref<4096xf32, #tpu.memory_space<vmem>>
    %dma_start3A_194 = arith.constant 12288 : i32
    %dma_start3A_195 = tpu.memref_slice %arg3[%add3A_116, %dma_start3A_194] : memref<64x16384xf32, #tpu.memory_space<hbm>> -> memref<1x4096xf32, #tpu.memory_space<hbm>>
    %dma_start3A_196 = tpu.memref_squeeze %dma_start3A_195 : memref<1x4096xf32, #tpu.memory_space<hbm>> -> memref<4096xf32, #tpu.memory_space<hbm>>
    tpu.enqueue_dma source(%dma_start3A_196 : memref<4096xf32, #tpu.memory_space<hbm>>) target(%dma_start3A_193 : memref<4096xf32, #tpu.memory_space<vmem>>) target_semaphore(%arg12 : memref<!tpu.dma_semaphore, #tpu.memory_space<semaphore_mem>>)
    %dma_wait3A_197 = arith.constant 0 : i32
    %dma_wait3A_198 = tpu.memref_slice %arg8[%dma_wait3A_197] : memref<8192xf32, #tpu.memory_space<vmem>> -> memref<4096xf32, #tpu.memory_space<vmem>>
    %dma_wait3A_199 = arith.constant 8192 : i32
    %dma_wait3A_200 = tpu.memref_slice %arg3[%add3A_116, %dma_wait3A_199] : memref<64x16384xf32, #tpu.memory_space<hbm>> -> memref<1x4096xf32, #tpu.memory_space<hbm>>
    %dma_wait3A_201 = tpu.memref_squeeze %dma_wait3A_200 : memref<1x4096xf32, #tpu.memory_space<hbm>> -> memref<4096xf32, #tpu.memory_space<hbm>>
    %dma_wait3A_202 = arith.constant 0 : i32
    %dma_wait3A_203 = tpu.memref_slice %arg8[%dma_wait3A_202] : memref<8192xf32, #tpu.memory_space<vmem>> -> memref<4096xf32, #tpu.memory_space<vmem>>
    %dma_wait3A_204 = arith.constant 8192 : i32
    %dma_wait3A_205 = tpu.memref_slice %arg3[%add3A_116, %dma_wait3A_204] : memref<64x16384xf32, #tpu.memory_space<hbm>> -> memref<1x4096xf32, #tpu.memory_space<hbm>>
    %dma_wait3A_206 = tpu.memref_squeeze %dma_wait3A_205 : memref<1x4096xf32, #tpu.memory_space<hbm>> -> memref<4096xf32, #tpu.memory_space<hbm>>
    tpu.wait_dma2 semaphore(%arg12 : memref<!tpu.dma_semaphore, #tpu.memory_space<semaphore_mem>>) src(%dma_wait3A_206 : memref<4096xf32, #tpu.memory_space<hbm>>) dst(%dma_wait3A_203 : memref<4096xf32, #tpu.memory_space<vmem>>)
    %parallel_loop3A_207 = arith.constant 0 : i32
    %parallel_loop3A_208 = arith.constant 4096 : i32
    %parallel_loop3A_209 = arith.constant 64 : i32
    %parallel_loop3A_210:4 = scf.for %parallel_loop3A_231 = %parallel_loop3A_207 to %parallel_loop3A_208 step %parallel_loop3A_209 iter_args(%parallel_loop3A_232 = %parallel_loop3A_186#0, %parallel_loop3A_233 = %parallel_loop3A_186#1, %parallel_loop3A_234 = %parallel_loop3A_186#2, %parallel_loop3A_235 = %parallel_loop3A_186#3) -> (vector<16xf32>, vector<16xf32>, vector<16xf32>, vector<16xf32>)  : i32 {
      %parallel_loop3A_236 = arith.constant 0 : i32
      %parallel_loop3A_237 = arith.addi %parallel_loop3A_231, %parallel_loop3A_236 : i32
      %parallel_loop3A_238 = arith.constant 8192 : i32
      %parallel_loop3A_239 = arith.addi %parallel_loop3A_238, %parallel_loop3A_237 : i32
      %parallel_loop3A_240 = arith.index_cast %parallel_loop3A_239 : i32 to index
      %parallel_loop3A_241 = tpu.vector_load %arg7[%parallel_loop3A_240] {strides = array<i32>} : memref<16384xi32, #tpu.memory_space<vmem>>, vector<16xi32>,
      %parallel_loop3A_242 = tpu.vector_load_idx %arg6[%parallel_loop3A_241] : memref<100000xf32, #tpu.memory_space<vmem>>[vector<16xi32>], vector<16xf32>,
      %parallel_loop3A_243 = arith.constant 0 : i32
      %parallel_loop3A_244 = arith.addi %parallel_loop3A_243, %parallel_loop3A_237 : i32
      %parallel_loop3A_245 = arith.index_cast %parallel_loop3A_244 : i32 to index
      %parallel_loop3A_246 = tpu.vector_load %arg8[%parallel_loop3A_245] {strides = array<i32>} : memref<8192xf32, #tpu.memory_space<vmem>>, vector<16xf32>,
      %parallel_loop3A_247 = arith.subf %parallel_loop3A_246, %parallel_loop3A_242 : vector<16xf32>
      %parallel_loop3A_248 = arith.mulf %parallel_loop3A_247, %parallel_loop3A_247 : vector<16xf32>
      %parallel_loop3A_249 = arith.addf %parallel_loop3A_232, %parallel_loop3A_248 : vector<16xf32>
      %parallel_loop3A_250 = arith.constant 16 : i32
      %parallel_loop3A_251 = arith.addi %parallel_loop3A_231, %parallel_loop3A_250 : i32
      %parallel_loop3A_252 = arith.constant 8192 : i32
      %parallel_loop3A_253 = arith.addi %parallel_loop3A_252, %parallel_loop3A_251 : i32
      %parallel_loop3A_254 = arith.index_cast %parallel_loop3A_253 : i32 to index
      %parallel_loop3A_255 = tpu.vector_load %arg7[%parallel_loop3A_254] {strides = array<i32>} : memref<16384xi32, #tpu.memory_space<vmem>>, vector<16xi32>,
      %parallel_loop3A_256 = tpu.vector_load_idx %arg6[%parallel_loop3A_255] : memref<100000xf32, #tpu.memory_space<vmem>>[vector<16xi32>], vector<16xf32>,
      %parallel_loop3A_257 = arith.constant 0 : i32
      %parallel_loop3A_258 = arith.addi %parallel_loop3A_257, %parallel_loop3A_251 : i32
      %parallel_loop3A_259 = arith.index_cast %parallel_loop3A_258 : i32 to index
      %parallel_loop3A_260 = tpu.vector_load %arg8[%parallel_loop3A_259] {strides = array<i32>} : memref<8192xf32, #tpu.memory_space<vmem>>, vector<16xf32>,
      %parallel_loop3A_261 = arith.subf %parallel_loop3A_260, %parallel_loop3A_256 : vector<16xf32>
      %parallel_loop3A_262 = arith.mulf %parallel_loop3A_261, %parallel_loop3A_261 : vector<16xf32>
      %parallel_loop3A_263 = arith.addf %parallel_loop3A_233, %parallel_loop3A_262 : vector<16xf32>
      %parallel_loop3A_264 = arith.constant 32 : i32
      %parallel_loop3A_265 = arith.addi %parallel_loop3A_231, %parallel_loop3A_264 : i32
      %parallel_loop3A_266 = arith.constant 8192 : i32
      %parallel_loop3A_267 = arith.addi %parallel_loop3A_266, %parallel_loop3A_265 : i32
      %parallel_loop3A_268 = arith.index_cast %parallel_loop3A_267 : i32 to index
      %parallel_loop3A_269 = tpu.vector_load %arg7[%parallel_loop3A_268] {strides = array<i32>} : memref<16384xi32, #tpu.memory_space<vmem>>, vector<16xi32>,
      %parallel_loop3A_270 = tpu.vector_load_idx %arg6[%parallel_loop3A_269] : memref<100000xf32, #tpu.memory_space<vmem>>[vector<16xi32>], vector<16xf32>,
      %parallel_loop3A_271 = arith.constant 0 : i32
      %parallel_loop3A_272 = arith.addi %parallel_loop3A_271, %parallel_loop3A_265 : i32
      %parallel_loop3A_273 = arith.index_cast %parallel_loop3A_272 : i32 to index
      %parallel_loop3A_274 = tpu.vector_load %arg8[%parallel_loop3A_273] {strides = array<i32>} : memref<8192xf32, #tpu.memory_space<vmem>>, vector<16xf32>,
      %parallel_loop3A_275 = arith.subf %parallel_loop3A_274, %parallel_loop3A_270 : vector<16xf32>
      %parallel_loop3A_276 = arith.mulf %parallel_loop3A_275, %parallel_loop3A_275 : vector<16xf32>
      %parallel_loop3A_277 = arith.addf %parallel_loop3A_234, %parallel_loop3A_276 : vector<16xf32>
      %parallel_loop3A_278 = arith.constant 48 : i32
      %parallel_loop3A_279 = arith.addi %parallel_loop3A_231, %parallel_loop3A_278 : i32
      %parallel_loop3A_280 = arith.constant 8192 : i32
      %parallel_loop3A_281 = arith.addi %parallel_loop3A_280, %parallel_loop3A_279 : i32
      %parallel_loop3A_282 = arith.index_cast %parallel_loop3A_281 : i32 to index
      %parallel_loop3A_283 = tpu.vector_load %arg7[%parallel_loop3A_282] {strides = array<i32>} : memref<16384xi32, #tpu.memory_space<vmem>>, vector<16xi32>,
      %parallel_loop3A_284 = tpu.vector_load_idx %arg6[%parallel_loop3A_283] : memref<100000xf32, #tpu.memory_space<vmem>>[vector<16xi32>], vector<16xf32>,
      %parallel_loop3A_285 = arith.constant 0 : i32
      %parallel_loop3A_286 = arith.addi %parallel_loop3A_285, %parallel_loop3A_279 : i32
      %parallel_loop3A_287 = arith.index_cast %parallel_loop3A_286 : i32 to index
      %parallel_loop3A_288 = tpu.vector_load %arg8[%parallel_loop3A_287] {strides = array<i32>} : memref<8192xf32, #tpu.memory_space<vmem>>, vector<16xf32>,
      %parallel_loop3A_289 = arith.subf %parallel_loop3A_288, %parallel_loop3A_284 : vector<16xf32>
      %parallel_loop3A_290 = arith.mulf %parallel_loop3A_289, %parallel_loop3A_289 : vector<16xf32>
      %parallel_loop3A_291 = arith.addf %parallel_loop3A_235, %parallel_loop3A_290 : vector<16xf32>
      scf.yield %parallel_loop3A_249, %parallel_loop3A_263, %parallel_loop3A_277, %parallel_loop3A_291 : vector<16xf32>, vector<16xf32>, vector<16xf32>, vector<16xf32>
    } {sc.loop_unroll_factor = 2 : i64, sc.parallel_access}
    %dma_wait3A_211 = arith.constant 4096 : i32
    %dma_wait3A_212 = tpu.memref_slice %arg8[%dma_wait3A_211] : memref<8192xf32, #tpu.memory_space<vmem>> -> memref<4096xf32, #tpu.memory_space<vmem>>
    %dma_wait3A_213 = arith.constant 12288 : i32
    %dma_wait3A_214 = tpu.memref_slice %arg3[%add3A_116, %dma_wait3A_213] : memref<64x16384xf32, #tpu.memory_space<hbm>> -> memref<1x4096xf32, #tpu.memory_space<hbm>>
    %dma_wait3A_215 = tpu.memref_squeeze %dma_wait3A_214 : memref<1x4096xf32, #tpu.memory_space<hbm>> -> memref<4096xf32, #tpu.memory_space<hbm>>
    %dma_wait3A_216 = arith.constant 4096 : i32
    %dma_wait3A_217 = tpu.memref_slice %arg8[%dma_wait3A_216] : memref<8192xf32, #tpu.memory_space<vmem>> -> memref<4096xf32, #tpu.memory_space<vmem>>
    %dma_wait3A_218 = arith.constant 12288 : i32
    %dma_wait3A_219 = tpu.memref_slice %arg3[%add3A_116, %dma_wait3A_218] : memref<64x16384xf32, #tpu.memory_space<hbm>> -> memref<1x4096xf32, #tpu.memory_space<hbm>>
    %dma_wait3A_220 = tpu.memref_squeeze %dma_wait3A_219 : memref<1x4096xf32, #tpu.memory_space<hbm>> -> memref<4096xf32, #tpu.memory_space<hbm>>
    tpu.wait_dma2 semaphore(%arg12 : memref<!tpu.dma_semaphore, #tpu.memory_space<semaphore_mem>>) src(%dma_wait3A_220 : memref<4096xf32, #tpu.memory_space<hbm>>) dst(%dma_wait3A_217 : memref<4096xf32, #tpu.memory_space<vmem>>)
    %parallel_loop3A_221 = arith.constant 0 : i32
    %parallel_loop3A_222 = arith.constant 4096 : i32
    %parallel_loop3A_223 = arith.constant 64 : i32
    %parallel_loop3A_224:4 = scf.for %parallel_loop3A_231 = %parallel_loop3A_221 to %parallel_loop3A_222 step %parallel_loop3A_223 iter_args(%parallel_loop3A_232 = %parallel_loop3A_210#0, %parallel_loop3A_233 = %parallel_loop3A_210#1, %parallel_loop3A_234 = %parallel_loop3A_210#2, %parallel_loop3A_235 = %parallel_loop3A_210#3) -> (vector<16xf32>, vector<16xf32>, vector<16xf32>, vector<16xf32>)  : i32 {
      %parallel_loop3A_236 = arith.constant 0 : i32
      %parallel_loop3A_237 = arith.addi %parallel_loop3A_231, %parallel_loop3A_236 : i32
      %parallel_loop3A_238 = arith.constant 12288 : i32
      %parallel_loop3A_239 = arith.addi %parallel_loop3A_238, %parallel_loop3A_237 : i32
      %parallel_loop3A_240 = arith.index_cast %parallel_loop3A_239 : i32 to index
      %parallel_loop3A_241 = tpu.vector_load %arg7[%parallel_loop3A_240] {strides = array<i32>} : memref<16384xi32, #tpu.memory_space<vmem>>, vector<16xi32>,
      %parallel_loop3A_242 = tpu.vector_load_idx %arg6[%parallel_loop3A_241] : memref<100000xf32, #tpu.memory_space<vmem>>[vector<16xi32>], vector<16xf32>,
      %parallel_loop3A_243 = arith.constant 4096 : i32
      %parallel_loop3A_244 = arith.addi %parallel_loop3A_243, %parallel_loop3A_237 : i32
      %parallel_loop3A_245 = arith.index_cast %parallel_loop3A_244 : i32 to index
      %parallel_loop3A_246 = tpu.vector_load %arg8[%parallel_loop3A_245] {strides = array<i32>} : memref<8192xf32, #tpu.memory_space<vmem>>, vector<16xf32>,
      %parallel_loop3A_247 = arith.subf %parallel_loop3A_246, %parallel_loop3A_242 : vector<16xf32>
      %parallel_loop3A_248 = arith.mulf %parallel_loop3A_247, %parallel_loop3A_247 : vector<16xf32>
      %parallel_loop3A_249 = arith.addf %parallel_loop3A_232, %parallel_loop3A_248 : vector<16xf32>
      %parallel_loop3A_250 = arith.constant 16 : i32
      %parallel_loop3A_251 = arith.addi %parallel_loop3A_231, %parallel_loop3A_250 : i32
      %parallel_loop3A_252 = arith.constant 12288 : i32
      %parallel_loop3A_253 = arith.addi %parallel_loop3A_252, %parallel_loop3A_251 : i32
      %parallel_loop3A_254 = arith.index_cast %parallel_loop3A_253 : i32 to index
      %parallel_loop3A_255 = tpu.vector_load %arg7[%parallel_loop3A_254] {strides = array<i32>} : memref<16384xi32, #tpu.memory_space<vmem>>, vector<16xi32>,
      %parallel_loop3A_256 = tpu.vector_load_idx %arg6[%parallel_loop3A_255] : memref<100000xf32, #tpu.memory_space<vmem>>[vector<16xi32>], vector<16xf32>,
      %parallel_loop3A_257 = arith.constant 4096 : i32
      %parallel_loop3A_258 = arith.addi %parallel_loop3A_257, %parallel_loop3A_251 : i32
      %parallel_loop3A_259 = arith.index_cast %parallel_loop3A_258 : i32 to index
      %parallel_loop3A_260 = tpu.vector_load %arg8[%parallel_loop3A_259] {strides = array<i32>} : memref<8192xf32, #tpu.memory_space<vmem>>, vector<16xf32>,
      %parallel_loop3A_261 = arith.subf %parallel_loop3A_260, %parallel_loop3A_256 : vector<16xf32>
      %parallel_loop3A_262 = arith.mulf %parallel_loop3A_261, %parallel_loop3A_261 : vector<16xf32>
      %parallel_loop3A_263 = arith.addf %parallel_loop3A_233, %parallel_loop3A_262 : vector<16xf32>
      %parallel_loop3A_264 = arith.constant 32 : i32
      %parallel_loop3A_265 = arith.addi %parallel_loop3A_231, %parallel_loop3A_264 : i32
      %parallel_loop3A_266 = arith.constant 12288 : i32
      %parallel_loop3A_267 = arith.addi %parallel_loop3A_266, %parallel_loop3A_265 : i32
      %parallel_loop3A_268 = arith.index_cast %parallel_loop3A_267 : i32 to index
      %parallel_loop3A_269 = tpu.vector_load %arg7[%parallel_loop3A_268] {strides = array<i32>} : memref<16384xi32, #tpu.memory_space<vmem>>, vector<16xi32>,
      %parallel_loop3A_270 = tpu.vector_load_idx %arg6[%parallel_loop3A_269] : memref<100000xf32, #tpu.memory_space<vmem>>[vector<16xi32>], vector<16xf32>,
      %parallel_loop3A_271 = arith.constant 4096 : i32
      %parallel_loop3A_272 = arith.addi %parallel_loop3A_271, %parallel_loop3A_265 : i32
      %parallel_loop3A_273 = arith.index_cast %parallel_loop3A_272 : i32 to index
      %parallel_loop3A_274 = tpu.vector_load %arg8[%parallel_loop3A_273] {strides = array<i32>} : memref<8192xf32, #tpu.memory_space<vmem>>, vector<16xf32>,
      %parallel_loop3A_275 = arith.subf %parallel_loop3A_274, %parallel_loop3A_270 : vector<16xf32>
      %parallel_loop3A_276 = arith.mulf %parallel_loop3A_275, %parallel_loop3A_275 : vector<16xf32>
      %parallel_loop3A_277 = arith.addf %parallel_loop3A_234, %parallel_loop3A_276 : vector<16xf32>
      %parallel_loop3A_278 = arith.constant 48 : i32
      %parallel_loop3A_279 = arith.addi %parallel_loop3A_231, %parallel_loop3A_278 : i32
      %parallel_loop3A_280 = arith.constant 12288 : i32
      %parallel_loop3A_281 = arith.addi %parallel_loop3A_280, %parallel_loop3A_279 : i32
      %parallel_loop3A_282 = arith.index_cast %parallel_loop3A_281 : i32 to index
      %parallel_loop3A_283 = tpu.vector_load %arg7[%parallel_loop3A_282] {strides = array<i32>} : memref<16384xi32, #tpu.memory_space<vmem>>, vector<16xi32>,
      %parallel_loop3A_284 = tpu.vector_load_idx %arg6[%parallel_loop3A_283] : memref<100000xf32, #tpu.memory_space<vmem>>[vector<16xi32>], vector<16xf32>,
      %parallel_loop3A_285 = arith.constant 4096 : i32
      %parallel_loop3A_286 = arith.addi %parallel_loop3A_285, %parallel_loop3A_279 : i32
      %parallel_loop3A_287 = arith.index_cast %parallel_loop3A_286 : i32 to index
      %parallel_loop3A_288 = tpu.vector_load %arg8[%parallel_loop3A_287] {strides = array<i32>} : memref<8192xf32, #tpu.memory_space<vmem>>, vector<16xf32>,
      %parallel_loop3A_289 = arith.subf %parallel_loop3A_288, %parallel_loop3A_284 : vector<16xf32>
      %parallel_loop3A_290 = arith.mulf %parallel_loop3A_289, %parallel_loop3A_289 : vector<16xf32>
      %parallel_loop3A_291 = arith.addf %parallel_loop3A_235, %parallel_loop3A_290 : vector<16xf32>
      scf.yield %parallel_loop3A_249, %parallel_loop3A_263, %parallel_loop3A_277, %parallel_loop3A_291 : vector<16xf32>, vector<16xf32>, vector<16xf32>, vector<16xf32>
    } {sc.loop_unroll_factor = 2 : i64, sc.parallel_access}
    %add3A_225 = arith.addf %parallel_loop3A_224#0, %parallel_loop3A_224#1 : vector<16xf32>
    %add3A_226 = arith.addf %parallel_loop3A_224#2, %parallel_loop3A_224#3 : vector<16xf32>
    %add3A_227 = arith.addf %add3A_225, %add3A_226 : vector<16xf32>
    %swap3A = arith.constant 0 : index
    %swap3A_228 = tpu.vector_load %arg9[%swap3A] {strides = array<i32>} : memref<16xf32, #tpu.memory_space<vmem>>, vector<16xf32>,
    tpu.vector_store %arg9[%swap3A], %add3A_227 {strides = array<i32>} : memref<16xf32, #tpu.memory_space<vmem>>, vector<16xf32>,
    %mul3A_229 = arith.constant 16 : i32
    %mul3A_230 = arith.muli %add3A, %mul3A_229 : i32
    %multiple_of3A = tpu.assume_multiple %mul3A_230, 16 : i32
    "tpu.region"() ({
      %run_scoped3A = tpu.sem_alloc : memref<!tpu.dma_semaphore, #tpu.memory_space<semaphore_mem>>
      %dma_start3A_231 = tpu.memref_slice %arg5[%multiple_of3A] : memref<512xf32, #tpu.memory_space<hbm>> -> memref<16xf32, #tpu.memory_space<hbm>>
      %dma_start3A_232 = tpu.memref_slice %arg5[%multiple_of3A] : memref<512xf32, #tpu.memory_space<hbm>> -> memref<16xf32, #tpu.memory_space<hbm>>
      tpu.enqueue_dma source(%arg9 : memref<16xf32, #tpu.memory_space<vmem>>) target(%dma_start3A_232 : memref<16xf32, #tpu.memory_space<hbm>>) target_semaphore(%run_scoped3A : memref<!tpu.dma_semaphore, #tpu.memory_space<semaphore_mem>>)
      %dma_wait3A_233 = tpu.memref_slice %arg5[%multiple_of3A] : memref<512xf32, #tpu.memory_space<hbm>> -> memref<16xf32, #tpu.memory_space<hbm>>
      %dma_wait3A_234 = tpu.memref_slice %arg5[%multiple_of3A] : memref<512xf32, #tpu.memory_space<hbm>> -> memref<16xf32, #tpu.memory_space<hbm>>
      tpu.wait_dma2 semaphore(%run_scoped3A : memref<!tpu.dma_semaphore, #tpu.memory_space<semaphore_mem>>) src(%arg9 : memref<16xf32, #tpu.memory_space<vmem>>) dst(%dma_wait3A_234 : memref<16xf32, #tpu.memory_space<hbm>>)
      tpu.yield
    }) : () -> ()
    return
  }
}

</mosaic_0001>

<sc_bundles>
// kernel: kernel.3.cloned.1.call-start
scs
__scs_entry_jumppad:
0x0: {  	(pc) =	sbr.rel $0x88, $3  }
0x1: {  	(tag) =	ssettag $0x0;
	lr =	simm.s32 $0x1  }
0x2: {  	[smem:$0x3F9E] =	sst lr;
	_ =	strace $0xD0000000  }
0x3: {  	_ = 	snop  }
0x4: {  	_ = 	snop  }
0x5: {  	_ = 	snop  }
0x6: {  	_ = 	snop  }
0x7: {  	_ = 	snop  }
__scs_overlays_trampoline_lowered:
0x8: {  	[smem:$0x3FAD] =	sst s0  }
0x9: {  	[smem:$0x3FAE] =	sst s1  }
0xa: {  	[smem:$0x3FAF] =	sst s2  }
0xb: {  	[smem:$0x3FB0] =	sst s3  }
0xc: {  	[smem:$0x3FB1] =	sst s4  }
0xd: {  	[smem:$0x3FB2] =	sst s5  }
0xe: {  	[smem:$0x3FB3] =	sst s6  }
0xf: {  	[smem:$0x3FB4] =	sst s7  }
0x10: {  	[smem:$0x3FB5] =	sst s8  }
0x11: {  	[smem:$0x3FB6] =	sst s9;
	s0 =	simm.s32 @!p0 $0x0  }
0x12: {  	s1 =	sld [smem:$0x3F9C];
	s0 =	simm.s32 @p0 $0x1  }
0x13: {  	[smem:$0x3FB7] =	sst s0;
	s0 =	simm.s32 @!p1 $0x0  }
0x14: {  	s2 =	sld [smem:$0x3F9B];
	s0 =	simm.s32 @p1 $0x1  }
0x15: {  	[smem:$0x3FB8] =	sst s0;
	s0 =	simm.s32 @!p2 $0x0  }
0x16: {  	s3 =	sld [smem:$0x3FDB];
	s0 =	simm.s32 @p2 $0x1  }
0x17: {  	s4 =	simm.s32 $0x1BF5;
	[smem:$0x3FBA] =	sst s0  }
0x18: {  	s0 =	sld [smem:$0x3F9D];
	_ =	swait.ge [sflag:s4], $0x0  }
0x19: {  	s7 =	sld [smem:$0x3F9E]  }
0x1a: {  	s8 =	sadd.s32 $0xFFFFE003, lr  }
0x1b: {  	s9 =	sadd.s32 $0xFFFFFEF7, lr;
	s5 =	simm.s32 $0xFFFFFFFF;
	p2 =	slt.u32 s8, $0xFFFFF086  }
0x1c: {  	p1 =	slt.u32 s9, $0xF7A;
	s5 =	simm.s32 @!p2 $0x0  }
0x1d: {  	s5 =	simm.s32 @p1 $0x1;
	p0 =	seq.s32 s7, s2  }
0x1e: {  	s7 =	smul.u32 @!p0 $0xF7A, s2;
	p2 =	seq.s32 @!p0 s5, $0x0  }
0x1f: {  	s9 =	smul.u32 $0xF7A, s1;
	s8 =	simm.s32 @!p0 $0x1BF5;
	p2 =	por !p2, p0  }
0x20: {  	[sflag:s8] =	ssyncset.s32 @!p0 $0xFFFFF086;
	s6 =	sadd.s32 @!p0 s3, s7;
	s7 =	simm.s32 @!p0 $0x108  }
0x21: {  	s3 =	sadd.s32 s3, s9;
	s6 =	sadd.s32 @!p0 $0x88, s6;
	s7 =	simm.s32 @p2 $0x1082  }
0x22: {  	[simem:s7], [sflag:s8] =	dma.local @!p0 [hbm:s6], $0xF7A  }
0x23: {  	s9 =	sor.u32 $0xD0000000, s2;
	s6 =	simm.s32 $0x108;
	_ =	swait.ge @!p0 [sflag:s8], $0x0  }
0x24: {  	s3 =	sadd.s32 $0x88, s3;
	s6 =	simm.s32 @!p1 $0x1082;
	[sflag:s4] =	ssyncset.s32 $0xFFFFF086  }
0x25: {  	[simem:s6], [sflag:s4] =	dma.local [hbm:s3], $0xF7A  }
0x26: {  	[smem:$0x3F9E] =	sst s1;
	(tag) =	ssettag s2;
	_ =	strace s9  }
0x27: {  	s1 =	sld [smem:$0x3FAE]  }
0x28: {  	s2 =	sld [smem:$0x3FAF]  }
0x29: {  	s4 =	sld [smem:$0x3FB1]  }
0x2a: {  	p0 =	seq.s32 s5, $0x0;
	s5 =	sld [smem:$0x3FB2]  }
0x2b: {  	s6 =	sld [smem:$0x3FB3]  }
0x2c: {  	s7 =	sld [smem:$0x3FB4]  }
0x2d: {  	s3 =	simm.s32 $0x108;
	s8 =	sld [smem:$0x3FB5]  }
0x2e: {  	s3 =	simm.s32 @!p0 $0x1082;
	s9 =	sld [smem:$0x3FB6]  }
0x2f: {  	lr =	sadd.s32 s0, s3;
	s0 =	sld [smem:$0x3FAD]  }
0x30: {  	s3 =	sld [smem:$0x3FB0]  }
0x31: {  	[smem:$0x3FB9] =	sst s10  }
0x32: {  	s10 =	sld [smem:$0x3FB7];
	_ =	sdelay $0x3  }
0x33: {  	p0 =	seq.s32 s10, $0x1;
	s10 =	sld [smem:$0x3FB9];
	_ =	sdelay $0x3  }
0x34: {  	[smem:$0x3FB9] =	sst s10  }
0x35: {  	s10 =	sld [smem:$0x3FB8];
	_ =	sdelay $0x3  }
0x36: {  	p1 =	seq.s32 s10, $0x1;
	s10 =	sld [smem:$0x3FB9];
	_ =	sdelay $0x3  }
0x37: {  	[smem:$0x3FB9] =	sst s10  }
0x38: {  	s10 =	sld [smem:$0x3FBA]  }
0x39: {  	_ = 	snop;
	(pc) =	sbr.ind lr, $3  }
0x3a: {  	_ = 	snop  }
0x3b: {  	_ = 	snop  }
0x3c: {  	p2 =	seq.s32 s10, $0x1;
	s10 =	sld [smem:$0x3FB9]  }
0x3d: {  	_ =	shalt  }
0x3e: {  	_ =	shalt  }
0x3f: {  	_ =	shalt  }
0x40: {  	_ =	shalt  }
0x41: {  	_ =	shalt  }
0x42: {  	_ =	shalt  }
0x43: {  	_ =	shalt  }
0x44: {  	_ =	shalt  }
0x45: {  	_ =	shalt  }
0x46: {  	_ =	shalt  }
0x47: {  	_ =	shalt  }
0x48: {  	_ =	shalt  }
0x49: {  	_ =	shalt  }
0x4a: {  	_ =	shalt  }
0x4b: {  	_ =	shalt  }
0x4c: {  	_ =	shalt  }
0x4d: {  	_ =	shalt  }
0x4e: {  	_ =	shalt  }
0x4f: {  	_ =	shalt  }
0x50: {  	_ =	shalt  }
0x51: {  	_ =	shalt  }
0x52: {  	_ =	shalt  }
0x53: {  	_ =	shalt  }
0x54: {  	_ =	shalt  }
0x55: {  	_ =	shalt  }
0x56: {  	_ =	shalt  }
0x57: {  	_ =	shalt  }
0x58: {  	_ =	shalt  }
0x59: {  	_ =	shalt  }
0x5a: {  	_ =	shalt  }
0x5b: {  	_ =	shalt  }
0x5c: {  	_ =	shalt  }
0x5d: {  	_ =	shalt  }
0x5e: {  	_ =	shalt  }
0x5f: {  	_ =	shalt  }
0x60: {  	_ =	shalt  }
0x61: {  	_ =	shalt  }
0x62: {  	_ =	shalt  }
0x63: {  	_ =	shalt  }
0x64: {  	_ =	shalt  }
0x65: {  	_ =	shalt  }
0x66: {  	_ =	shalt  }
0x67: {  	_ =	shalt  }
0x68: {  	_ =	shalt  }
0x69: {  	_ =	shalt  }
0x6a: {  	_ =	shalt  }
0x6b: {  	_ =	shalt  }
0x6c: {  	_ =	shalt  }
0x6d: {  	_ =	shalt  }
0x6e: {  	_ =	shalt  }
0x6f: {  	_ =	shalt  }
0x70: {  	_ =	shalt  }
0x71: {  	_ =	shalt  }
0x72: {  	_ =	shalt  }
0x73: {  	_ =	shalt  }
0x74: {  	_ =	shalt  }
0x75: {  	_ =	shalt  }
0x76: {  	_ =	shalt  }
0x77: {  	_ =	shalt  }
0x78: {  	_ =	shalt  }
0x79: {  	_ =	shalt  }
0x7a: {  	_ =	shalt  }
0x7b: {  	_ =	shalt  }
0x7c: {  	_ =	shalt  }
0x7d: {  	_ =	shalt  }
0x7e: {  	_ =	shalt  }
0x7f: {  	_ =	shalt  }
0x80: {  	_ =	shalt  }
0x81: {  	_ =	shalt  }
0x82: {  	_ =	shalt  }
0x83: {  	_ =	shalt  }
0x84: {  	_ =	shalt  }
0x85: {  	_ =	shalt  }
0x86: {  	_ =	shalt  }
0x87: {  	_ =	shalt  }
.Lfunc_end0:
.L_simem_size_0:
called_computation_lowered:
.L_overlay_start_0:
0x88: {  	s2 =	sld [smem:$0x3FD9]  }
0x89: {  	s3 =	sld [smem:$0x3FFE];
	_ =	sdelay $0x1  }
0x8a: {  	s1 =	srdreg.scid  }
0x8b: {  	s0 =	sand.u32 $0x1, s1  }
0x8c: {  	s17 =	sshll.u32 s0, $0xA;
	s2 =	sadd.s32 s3, s2  }
0x8d: {  	s2 =	sadd.s32 s2, s17  }
0x8e: {  	[smem:$0x3FC5] =	sst s2  }
0x8f: {  	_ = 	snop  }
0x90: {  	s2 =	sld [smem:$0x3FC9]  }
0x91: {  	s18 =	sld [smem:$0x3FC8]  }
0x92: {  	s4 =	sld [smem:$0x3FC7];
	(tm) =	ssettm $0x1  }
0x93: {  	s5 =	sld [smem:$0x3FFB];
	_ =	sdelay $0x3  }
0x94: {  	_ =	strace s5  }
0x95: {  	s5 =	sld [smem:$0x3FFC];
	_ =	sdelay $0x3  }
0x96: {  	_ =	strace s5  }
0x97: {  	s5 =	sld [smem:$0x3FFD];
	_ =	sdelay $0x3  }
0x98: {  	_ =	strace s5  }
0x99: {  	_ =	strace $0x8FFFFFFF  }
0x9a: {  	s19 =	sld [smem:$0x3FDB];
	_ =	sdelay $0x1  }
0x9b: {  	s6 =	simm.s32 $_scs_section_size  }
0x9c: {  	s7 =	simm.s32 $_size__tile_overlayer_lowered;
	s8 =	simm.s32 $_tile_overlayer_lowered  }
0x9d: {  	s22 =	simm.s32 $0x1BFF;
	s21 =	sshll.u32 s8, $0x1;
	s5 =	sadd.s32 s6, s19  }
0x9e: {  	s9 =	simm.s32 $0x0;
	s20 =	sshll.u32 s7, $0x1;
	s7 =	sadd.s32 s21, s5  }
0x9f: {  	[timem:s9], [sflag:s22] =	dma.local [hbm:s7], s20  }
0xa0: {  	_ =	swait.ge [sflag:s22], s20  }
0xa1: {  	s6 =	ssub.s32 $0x0, s20;
	[sflag:s22] =	ssyncset.done $0x0  }
0xa2: {  	[sflag:s22] =	ssyncadd.s32 s6;
	_ =	sdelay $0x1  }
0xa3: {  	s23 =	simm.s32 $0x1B8B  }
0xa4: {  	_ =	swait.ge [sflag:s23], $0x1  }
0xa5: {  	[sflag:s23] =	ssyncset.done $0x0  }
0xa6: {  	s25 =	simm.s32 $0x1B8E;
	s24 =	sld [smem:$0x3FFE];
	[sflag:s23] =	ssyncadd.s32 $0xFFFFFFFF  }
0xa7: {  	s26 =	simm.s32 $execute0_lowered;
	[smem:$0x3FD2] =	sst s25  }
0xa8: {  	s7 =	sshll.u32 s26, $0x1;
	_ =	strace $0x80000046;
	[dreg:$0x1] =	wrdreg $0xFFFFFFFF  }
0xa9: {  	s28 =	simm.s32 $_size_execute0_lowered;
	s5 =	sadd.s32 s5, s7;
	[dreg:$0x0] =	wrdreg $0x0  }
0xaa: {  	s7 =	sshll.u32 s28, $0x1;
	[dreg:$0x2] =	wrdreg s5  }
0xab: {  	[dreg:$0x3] =	wrdreg s7  }
0xac: {  	[dreg:$0x4] =	wrdreg $0xC0  }
0xad: {  	_ =	task [dreg:s9], $0x5FFFF  }
0xae: {  	[dreg:$0x1] =	wrdreg $0xFFFFFFFF  }
0xaf: {  	[dreg:$0x0] =	wrdreg $0x60  }
0xb0: {  	[dreg:$0x2] =	wrdreg s2  }
0xb1: {  	[dreg:$0x3] =	wrdreg s18  }
0xb2: {  	[dreg:$0x4] =	wrdreg s4  }
0xb3: {  	[dreg:$0x5] =	wrdreg s24  }
0xb4: {  	[dreg:$0x6] =	wrdreg $0x9  }
0xb5: {  	_ =	task.clear_ibuf [dreg:s9], $0x7FFFF;
	_ =	strace $0x90000046  }
0xb6: {  	s29 =	simm.s32 $0x9;
	_ =	strace $0x80000048  }
0xb7: {  	_ =	swait.ge [sflag:s29], $0x1  }
0xb8: {  	[sflag:s29] =	ssyncadd.s32 $0xFFFFFFFF  }
0xb9: {  	_ =	strace $0x90000048  }
0xba: {  	_ =	sfence  }
0xbb: {  	s30 =	sld [smem:$0x0];
	_ =	sdelay $0x2  }
0xbc: {  	s31 =	sshll.u32 s1, $0xD;
	s1 =	sshrl.u32 s1, $0x2  }
0xbd: {  	s3 =	sand.u32 $0x4000, s31;
	s1 =	sadd.s32 s1, s30  }
0xbe: {  	s0 =	sor.u32 s3, s0;
	s1 =	sshll.u32 s1, $0x11  }
0xbf: {  	s0 =	sor.u32 s1, s0  }
0xc0: {  	s0 =	sadd.s32 $0x8F2B, s0  }
0xc1: {  	[sflag:s0] =	ssyncadd.remote.s32 $0x1  }
0xc2: {  	_ =	sfence.sel $0xFFFF  }
0xc3: {  	[dreg:$0x0] =	wrdreg $0xFFFFFFFF;
	(pc) =	sbr.abs _section_cstart, $3  }
0xc4: {  	[dreg:$0x1] =	wrdreg $0xFFFFFFFF  }
0xc5: {  	_ =	task.clear_ibuf [dreg:s9], $0x2FFFF;
	_ =	strace $0x9FFFFFFF  }
0xc6: {  	(tm) =	ssettm $0x7FFFFFFF  }
0xc7: {  	_ =	shalt  }
tec
execute0_lowered:
.L_overlay_start_1:
0x0: {  	(tag) =	ssettag $0x1  }
0x1: {  	s1 =	rddreg [dreg:$0x0]  }
0x2: {  	s10 =	rddreg [dreg:$0x1]  }
0x3: {  	s9 =	rddreg [dreg:$0x2]  }
0x4: {  	s2 =	srdreg.scid;
	s0 =	stileid.u32  }
0x5: {  	s14 =	rddreg [dreg:$0x3];
	s20 =	simm.s32 $0x1;
	s21 =	simm.s32 $0x2  }
0x6: {  	s22 =	simm.s32 $0x1D700;
	s23 =	simm.s32 $0x3;
	s24 =	simm.s32 $0x1E700  }
0x7: {  	s25 =	simm.s32 $0x4;
	s4 =	sand.u32 $0x1, s2;
	s3 =	sshll.u32 s0, $0x1  }
0x8: {  	s2 =	rddreg [dreg:$0x4];
	s5 =	sshrl.u32 s0, $0x2;
	s16 =	sadd.s32 $0x1000, s10  }
0x9: {  	s18 =	sadd.s32 $0x2000, s10;
	s19 =	sadd.s32 $0x3000, s10;
	s12 =	sor.u32 s4, s3  }
0xa: {  	s3 =	simm.s32 $0x0;
	s7 =	smul.u32 $0xC3800, s5;
	s4 =	ssub.s32 $0x2, s4  }
0xb: {  	s29 =	sshll.u32 s5, $0x11;
	s11 =	sor.u32 $0x4, s5;
	s6 =	sshll.u32 s12, $0x7  }
0xc: {  	[smem:$0x7FF] =	sst s3;
	s26 =	sshrl.u32 s4, $0x1;
	s17 =	smul.u32 $0xC3800, s11  }
0xd: {  	s11 =	sshll.u32 s11, $0x11;
	s31 =	sshll.u32 s12, $0x1;
	s8 =	sand.u32 $0x380, s6  }
0xe: {  	_ =	strace $0x80000047;
	s15 =	ssub.s32 s4, s26;
	s14 =	sadd.s32 s14, s31  }
0xf: {  	s26 =	simm.s32 $0x0;
	s7 =	sor.u32 s7, s8;
	s6 =	sor.u32 s29, s8  }
0x10: {  	s17 =	sor.u32 s17, s8;
	s11 =	sor.u32 s11, s8;
	s15 =	smax.u32 s15, $0x1  }
0x11: {  	s28 =	sshrl.u32 s7, $0x3;
	s13 =	sshrl.u32 s6, $0x3;
	s17 =	sshrl.u32 s17, $0x3  }
0x12: {  	s30 =	sshrl.u32 s11, $0x3;
	s4 =	sadd.s32 s9, s28;
	s5 =	sadd.s32 s10, s13  }
0x13: {  	s6 =	sadd.s32 s13, s16;
	s7 =	sadd.s32 s13, s18;
	s8 =	sadd.s32 s13, s19  }
0x14: {  	s9 =	sadd.s32 s9, s17;
	s10 =	sadd.s32 s10, s30;
	s11 =	sadd.s32 s30, s16  }
0x15: {  	s12 =	sadd.s32 s30, s18;
	s13 =	sadd.s32 s30, s19;
	s16 =	simm.s32 $0x18700  }
0x16: {  	s17 =	simm.s32 $0x80;
	s18 =	simm.s32 $0x400;
	s19 =	simm.s32 $0x1C700  }
.LBB2_1:
0x17: {  	[tilespmem:s16], [sflag:$0x2] =	stream.linear.gather [hbm4b:s1+s3], $0x4000, $0x38;
	[tilespmem:$0x1E780] =	vst v63  }
0x18: {  	_ = 	snop  }
0x19: {  	[tilespmem:s3], [sflag:$0x1] =	stream.strided.gather [hbm4b:s4+s17], $0x18700, s18, s17, $0x38;
	[tilespmem:$0x1E780] =	vst v63  }
0x1a: {  	_ = 	snop  }
0x1b: {  	[tilespmem:s19], [sflag:$0x3] =	stream.strided.gather [hbm4b:s5+s17], $0x1000, s18, s17, $0x38;
	[tilespmem:$0x1E780] =	vst v63  }
0x1c: {  	_ =	swait.ge [sflag:s20], $0x18700  }
0x1d: {  	[sflag:s20] =	ssyncset.done $0x0  }
0x1e: {  	[sflag:s20] =	ssyncadd.s32 $0xFFFE7900  }
0x1f: {  	_ =	swait.ge [sflag:s21], $0x4000  }
0x20: {  	[sflag:s21] =	ssyncset.done $0x0  }
0x21: {  	[sflag:s21] =	ssyncadd.s32 $0xFFFFC000  }
0x22: {  	[tilespmem:s22], [sflag:$0x3] =	stream.strided.gather [hbm4b:s6+s17], $0x1000, s18, s17, $0x38;
	[tilespmem:$0x1E780] =	vst v63  }
0x23: {  	_ =	swait.ge [sflag:s23], $0x1000  }
0x24: {  	[sflag:s23] =	ssyncset.done $0x0  }
0x25: {  	s30 =	simm.s32 $0x1C740;
	[sflag:s23] =	ssyncadd.s32 $0xFFFFF000  }
0x26: {  	v0 =	vld [tilespmem:s30+$0x0]  }
0x27: {  	v1 =	vld [tilespmem:s30+$0x10]  }
0x28: {  	v7 =	vld [tilespmem:s30+$0x20]  }
0x29: {  	v8 =	vld [tilespmem:s30+$0xFFFFFFC0]  }
0x2a: {  	v9 =	vld [tilespmem:s30+$0xFFFFFFD0]  }
0x2b: {  	v10 =	vld [tilespmem:s30+$0xFFFFFFE0]  }
0x2c: {  	s28 =	simm.s32 $0x18740;
	v11 =	vld [tilespmem:s30+$0xFFFFFFF0]  }
0x2d: {  	v2 =	vld [tilespmem:s28+$0x0]  }
0x2e: {  	v3 =	vld [tilespmem:s28+$0x10]  }
0x2f: {  	v4 =	vld [tilespmem:s28+$0xFFFFFFC0]  }
0x30: {  	v5 =	vld [tilespmem:s28+$0xFFFFFFD0]  }
0x31: {  	v6 =	vld [tilespmem:s28+$0xFFFFFFE0]  }
0x32: {  	v12 =	vld [tilespmem:s28+$0xFFFFFFF0]  }
0x33: {  	v13 =	vld [tilespmem:s28+$0x20]  }
0x34: {  	v14 =	vld [tilespmem:s28+$0x30]  }
0x35: {  	v19 =	vld [tilespmem:s30+$0x30]  }
0x36: {  	v2 =	vld.idx.msk [tilespmem:v2+s3+$0x0], $0xffff  }
0x37: {  	v16 =	vld.idx.msk [tilespmem:v3+s3+$0x0], $0xffff  }
0x38: {  	v24 =	vld.idx.msk [tilespmem:v4+s3+$0x0], $0xffff  }
0x39: {  	v23 =	vld.idx.msk [tilespmem:v5+s3+$0x0], $0xffff  }
0x3a: {  	v22 =	vld.idx.msk [tilespmem:v6+s3+$0x0], $0xffff  }
0x3b: {  	v20 =	vld.idx.msk [tilespmem:v12+s3+$0x0], $0xffff  }
0x3c: {  	v15 =	vimm.f32 $0.0e+00;
	v18 =	vld.idx.msk [tilespmem:v13+s3+$0x0], $0xffff;
	v13 =	vimm.f32 $0.0e+00  }
0x3d: {  	s29 =	simm.s32 $0x0;
	s30 =	simm.s32 $0x1C7C0;
	v17 =	vld.idx.msk [tilespmem:v14+s3+$0x0], $0xffff;
	v14 =	vimm.f32 $0.0e+00;
	v12 =	vimm.f32 $0.0e+00;
	v21 =	vsub.f32 v0, v2  }
.LBB2_2:
0x3e: {  	v0 =	vld [tilespmem:s30+$0x0];
	v2 =	vsub.f32 v8, v24;
	v3 =	vsub.f32 v1, v16  }
0x3f: {  	v4 =	vsub.f32 v9, v23;
	v5 =	vsub.f32 v10, v22;
	v1 =	vld [tilespmem:s30+$0x10]  }
0x40: {  	v10 =	vsub.f32 v11, v20;
	v16 =	vmul.f32 v21, v21;
	v6 =	vld [tilespmem:s30+$0x20];
	v3 =	vmul.f32 v3, v3  }
0x41: {  	v2 =	vmul.f32 v2, v2;
	v4 =	vmul.f32 v4, v4;
	v7 =	vsub.f32 v7, v18;
	v8 =	vld [tilespmem:s30+$0xFFFFFFC0]  }
0x42: {  	v5 =	vmul.f32 v5, v5;
	v18 =	vmul.f32 v10, v10;
	v9 =	vld [tilespmem:s30+$0xFFFFFFD0];
	v17 =	vsub.f32 v19, v17  }
0x43: {  	v2 =	vadd.f32 v2, v13;
	v4 =	vadd.f32 v4, v15;
	v19 =	vmul.f32 v7, v7;
	v10 =	vld [tilespmem:s30+$0xFFFFFFE0]  }
0x44: {  	s28 =	sadd.s32 $0x80, s28;
	v5 =	vadd.f32 v5, v14;
	v12 =	vadd.f32 v18, v12;
	v11 =	vld [tilespmem:s30+$0xFFFFFFF0];
	v17 =	vmul.f32 v17, v17  }
0x45: {  	v13 =	vadd.f32 v16, v2;
	v15 =	vadd.f32 v3, v4;
	v18 =	vld [tilespmem:s28+$0x0];
	v7 =	vmov v6  }
0x46: {  	v14 =	vadd.f32 v19, v5;
	v2 =	vld [tilespmem:s28+$0x10];
	v12 =	vadd.f32 v17, v12  }
0x47: {  	v3 =	vld [tilespmem:s28+$0xFFFFFFC0]  }
0x48: {  	v4 =	vld [tilespmem:s28+$0xFFFFFFD0]  }
0x49: {  	v5 =	vld [tilespmem:s28+$0xFFFFFFE0]  }
0x4a: {  	s29 =	sadd.s32 $0x80, s29;
	v6 =	vld [tilespmem:s28+$0xFFFFFFF0]  }
0x4b: {  	p0 =	slt.u32 s29, $0xF80;
	v17 =	vld [tilespmem:s28+$0x20]  }
0x4c: {  	v19 =	vld [tilespmem:s28+$0x30]  }
0x4d: {  	v21 =	vld.idx.msk [tilespmem:v18+s3+$0x0], $0xffff  }
0x4e: {  	v16 =	vld.idx.msk [tilespmem:v2+s3+$0x0], $0xffff  }
0x4f: {  	v24 =	vld.idx.msk [tilespmem:v3+s3+$0x0], $0xffff  }
0x50: {  	v23 =	vld.idx.msk [tilespmem:v4+s3+$0x0], $0xffff  }
.Ltmp0:
0x51: {  	v22 =	vld.idx.msk [tilespmem:v5+s3+$0x0], $0xffff;
	(pc) =	sbr.rel @p0 .LBB2_2-.Ltmp0, $4  }
0x52: {  	v20 =	vld.idx.msk [tilespmem:v6+s3+$0x0], $0xffff  }
0x53: {  	v18 =	vld.idx.msk [tilespmem:v17+s3+$0x0], $0xffff  }
0x54: {  	v17 =	vld.idx.msk [tilespmem:v19+s3+$0x0], $0xffff  }
0x55: {  	v21 =	vsub.f32 v0, v21;
	v19 =	vld [tilespmem:s30+$0x30];
	s30 =	sadd.s32 $0x80, s30  }
0x56: {  	[tilespmem:s19], [sflag:$0x3] =	stream.strided.gather [hbm4b:s7+s17], $0x1000, s18, s17, $0x38;
	[tilespmem:$0x1E780] =	vst v63  }
0x57: {  	_ =	swait.ge [sflag:s23], $0x1000  }
0x58: {  	[sflag:s23] =	ssyncset.done $0x0  }
0x59: {  	s30 =	simm.s32 $0x1D770;
	[sflag:s23] =	ssyncadd.s32 $0xFFFFF000  }
0x5a: {  	v25 =	vld [tilespmem:s30+$0xFFFFFFD0]  }
0x5b: {  	v0 =	vld [tilespmem:s30+$0xFFFFFFE0]  }
0x5c: {  	v2 =	vld [tilespmem:s30+$0xFFFFFFF0]  }
0x5d: {  	v3 =	vld [tilespmem:s30+$0xFFFFFF90]  }
0x5e: {  	v4 =	vld [tilespmem:s30+$0xFFFFFFA0]  }
0x5f: {  	v5 =	vld [tilespmem:s30+$0xFFFFFFB0]  }
0x60: {  	s28 =	simm.s32 $0x19770;
	v6 =	vld [tilespmem:s30+$0xFFFFFFC0]  }
0x61: {  	v26 =	vld [tilespmem:s28+$0xFFFFFFD0]  }
0x62: {  	v27 =	vld [tilespmem:s28+$0xFFFFFFE0]  }
0x63: {  	v28 =	vld [tilespmem:s28+$0xFFFFFF90]  }
0x64: {  	v29 =	vld [tilespmem:s28+$0xFFFFFFA0]  }
0x65: {  	v30 =	vld [tilespmem:s28+$0xFFFFFFB0]  }
0x66: {  	v31 =	vld [tilespmem:s28+$0xFFFFFFC0]  }
0x67: {  	v32 =	vld [tilespmem:s28+$0xFFFFFFF0]  }
0x68: {  	v8 =	vsub.f32 v8, v24;
	v24 =	vld [tilespmem:s28+$0x0]  }
0x69: {  	v9 =	vsub.f32 v9, v23;
	v1 =	vsub.f32 v1, v16;
	v23 =	vld.idx.msk [tilespmem:v26+s3+$0x0], $0xffff  }
0x6a: {  	v10 =	vsub.f32 v10, v22;
	v11 =	vsub.f32 v11, v20;
	v16 =	vld.idx.msk [tilespmem:v27+s3+$0x0], $0xffff  }
0x6b: {  	v8 =	vmul.f32 v8, v8;
	v7 =	vsub.f32 v7, v18;
	v9 =	vmul.f32 v9, v9;
	v18 =	vld.idx.msk [tilespmem:v28+s3+$0x0], $0xffff  }
0x6c: {  	v10 =	vmul.f32 v10, v10;
	v1 =	vmul.f32 v1, v1;
	v17 =	vsub.f32 v19, v17;
	v19 =	vld.idx.msk [tilespmem:v29+s3+$0x0], $0xffff  }
0x6d: {  	v11 =	vmul.f32 v11, v11;
	v8 =	vadd.f32 v8, v13;
	v13 =	vmul.f32 v21, v21;
	v21 =	vld.idx.msk [tilespmem:v30+s3+$0x0], $0xffff  }
0x6e: {  	v9 =	vadd.f32 v9, v15;
	v10 =	vadd.f32 v10, v14;
	v7 =	vmul.f32 v7, v7;
	v22 =	vld.idx.msk [tilespmem:v31+s3+$0x0], $0xffff  }
0x6f: {  	v11 =	vadd.f32 v11, v12;
	v14 =	vadd.f32 v13, v8;
	v8 =	vmul.f32 v17, v17;
	v20 =	vld.idx.msk [tilespmem:v32+s3+$0x0], $0xffff  }
0x70: {  	v15 =	vadd.f32 v1, v9;
	v13 =	vadd.f32 v7, v10;
	v17 =	vld.idx.msk [tilespmem:v24+s3+$0x0], $0xffff  }
0x71: {  	s29 =	simm.s32 $0x0;
	v12 =	vadd.f32 v8, v11;
	v24 =	vsub.f32 v25, v23;
	v23 =	vld [tilespmem:s30+$0x0];
	s30 =	simm.s32 $0x1D7F0  }
.LBB2_4:
0x72: {  	v1 =	vld [tilespmem:s30+$0xFFFFFFD0];
	v7 =	vsub.f32 v3, v18;
	v3 =	vsub.f32 v0, v16  }
0x73: {  	v4 =	vsub.f32 v4, v19;
	v5 =	vsub.f32 v5, v21;
	v0 =	vld [tilespmem:s30+$0xFFFFFFE0]  }
0x74: {  	v6 =	vsub.f32 v6, v22;
	v9 =	vmul.f32 v24, v24;
	v8 =	vld [tilespmem:s30+$0xFFFFFFF0];
	v10 =	vmul.f32 v3, v3  }
0x75: {  	v7 =	vmul.f32 v7, v7;
	v11 =	vmul.f32 v4, v4;
	v2 =	vsub.f32 v2, v20;
	v3 =	vld [tilespmem:s30+$0xFFFFFF90]  }
0x76: {  	v16 =	vmul.f32 v5, v5;
	v18 =	vmul.f32 v6, v6;
	v4 =	vld [tilespmem:s30+$0xFFFFFFA0];
	v17 =	vsub.f32 v23, v17  }
0x77: {  	v7 =	vadd.f32 v7, v14;
	v11 =	vadd.f32 v11, v15;
	v19 =	vmul.f32 v2, v2;
	v5 =	vld [tilespmem:s30+$0xFFFFFFB0]  }
0x78: {  	s28 =	sadd.s32 $0x80, s28;
	v13 =	vadd.f32 v16, v13;
	v12 =	vadd.f32 v18, v12;
	v6 =	vld [tilespmem:s30+$0xFFFFFFC0];
	v16 =	vmul.f32 v17, v17  }
0x79: {  	v14 =	vadd.f32 v9, v7;
	v15 =	vadd.f32 v10, v11;
	v17 =	vld [tilespmem:s28+$0xFFFFFFD0];
	v2 =	vmov v8  }
0x7a: {  	v13 =	vadd.f32 v19, v13;
	v7 =	vld [tilespmem:s28+$0xFFFFFFE0];
	v12 =	vadd.f32 v16, v12  }
0x7b: {  	v8 =	vld [tilespmem:s28+$0xFFFFFF90]  }
0x7c: {  	v9 =	vld [tilespmem:s28+$0xFFFFFFA0]  }
0x7d: {  	v10 =	vld [tilespmem:s28+$0xFFFFFFB0]  }
0x7e: {  	s29 =	sadd.s32 $0x80, s29;
	v11 =	vld [tilespmem:s28+$0xFFFFFFC0]  }
0x7f: {  	p0 =	slt.u32 s29, $0xF80;
	v20 =	vld [tilespmem:s28+$0xFFFFFFF0]  }
0x80: {  	v23 =	vld [tilespmem:s28+$0x0]  }
0x81: {  	v24 =	vld.idx.msk [tilespmem:v17+s3+$0x0], $0xffff  }
0x82: {  	v16 =	vld.idx.msk [tilespmem:v7+s3+$0x0], $0xffff  }
0x83: {  	v18 =	vld.idx.msk [tilespmem:v8+s3+$0x0], $0xffff  }
0x84: {  	v19 =	vld.idx.msk [tilespmem:v9+s3+$0x0], $0xffff  }
.Ltmp1:
0x85: {  	v21 =	vld.idx.msk [tilespmem:v10+s3+$0x0], $0xffff;
	(pc) =	sbr.rel @p0 .LBB2_4-.Ltmp1, $4  }
0x86: {  	v22 =	vld.idx.msk [tilespmem:v11+s3+$0x0], $0xffff  }
0x87: {  	v20 =	vld.idx.msk [tilespmem:v20+s3+$0x0], $0xffff  }
0x88: {  	v17 =	vld.idx.msk [tilespmem:v23+s3+$0x0], $0xffff  }
0x89: {  	v24 =	vsub.f32 v1, v24;
	v23 =	vld [tilespmem:s30+$0x0];
	s30 =	sadd.s32 $0x80, s30  }
0x8a: {  	[tilespmem:s22], [sflag:$0x3] =	stream.strided.gather [hbm4b:s8+s17], $0x1000, s18, s17, $0x38;
	[tilespmem:$0x1E780] =	vst v63  }
0x8b: {  	_ =	swait.ge [sflag:s23], $0x1000  }
0x8c: {  	[sflag:s23] =	ssyncset.done $0x0  }
0x8d: {  	s30 =	simm.s32 $0x1C740;
	[sflag:s23] =	ssyncadd.s32 $0xFFFFF000  }
0x8e: {  	v25 =	vld [tilespmem:s30+$0x0]  }
0x8f: {  	v1 =	vld [tilespmem:s30+$0x10]  }
0x90: {  	v7 =	vld [tilespmem:s30+$0x20]  }
0x91: {  	v8 =	vld [tilespmem:s30+$0xFFFFFFC0]  }
0x92: {  	v9 =	vld [tilespmem:s30+$0xFFFFFFD0]  }
0x93: {  	v10 =	vld [tilespmem:s30+$0xFFFFFFE0]  }
0x94: {  	s28 =	simm.s32 $0x1A770;
	v11 =	vld [tilespmem:s30+$0xFFFFFFF0]  }
0x95: {  	v26 =	vld [tilespmem:s28+$0xFFFFFFD0]  }
0x96: {  	v27 =	vld [tilespmem:s28+$0xFFFFFFE0]  }
0x97: {  	v28 =	vld [tilespmem:s28+$0xFFFFFF90]  }
0x98: {  	v29 =	vld [tilespmem:s28+$0xFFFFFFA0]  }
0x99: {  	v30 =	vld [tilespmem:s28+$0xFFFFFFB0]  }
0x9a: {  	v31 =	vld [tilespmem:s28+$0xFFFFFFC0]  }
0x9b: {  	v32 =	vld [tilespmem:s28+$0xFFFFFFF0]  }
0x9c: {  	v3 =	vsub.f32 v3, v18;
	v33 =	vld [tilespmem:s28+$0x0]  }
0x9d: {  	v4 =	vsub.f32 v4, v19;
	v17 =	vsub.f32 v23, v17;
	v23 =	vld [tilespmem:s30+$0x30]  }
0x9e: {  	v0 =	vsub.f32 v0, v16;
	v5 =	vsub.f32 v5, v21;
	v26 =	vld.idx.msk [tilespmem:v26+s3+$0x0], $0xffff  }
0x9f: {  	v6 =	vsub.f32 v6, v22;
	v3 =	vmul.f32 v3, v3;
	v4 =	vmul.f32 v4, v4;
	v16 =	vld.idx.msk [tilespmem:v27+s3+$0x0], $0xffff  }
0xa0: {  	v2 =	vsub.f32 v2, v20;
	v5 =	vmul.f32 v5, v5;
	v0 =	vmul.f32 v0, v0;
	v18 =	vld.idx.msk [tilespmem:v28+s3+$0x0], $0xffff  }
0xa1: {  	v6 =	vmul.f32 v6, v6;
	v3 =	vadd.f32 v3, v14;
	v14 =	vmul.f32 v24, v24;
	v19 =	vld.idx.msk [tilespmem:v29+s3+$0x0], $0xffff  }
0xa2: {  	v4 =	vadd.f32 v4, v15;
	v5 =	vadd.f32 v5, v13;
	v2 =	vmul.f32 v2, v2;
	v21 =	vld.idx.msk [tilespmem:v30+s3+$0x0], $0xffff  }
0xa3: {  	v6 =	vadd.f32 v6, v12;
	v14 =	vadd.f32 v14, v3;
	v3 =	vmul.f32 v17, v17;
	v22 =	vld.idx.msk [tilespmem:v31+s3+$0x0], $0xffff  }
0xa4: {  	v15 =	vadd.f32 v0, v4;
	v13 =	vadd.f32 v2, v5;
	v20 =	vld.idx.msk [tilespmem:v32+s3+$0x0], $0xffff  }
0xa5: {  	s29 =	simm.s32 $0x0;
	s30 =	simm.s32 $0x1C7C0;
	v12 =	vadd.f32 v3, v6;
	v17 =	vld.idx.msk [tilespmem:v33+s3+$0x0], $0xffff;
	v24 =	vsub.f32 v25, v26  }
.LBB2_6:
0xa6: {  	v0 =	vld [tilespmem:s30+$0x0];
	v2 =	vsub.f32 v8, v18;
	v3 =	vsub.f32 v1, v16  }
0xa7: {  	v4 =	vsub.f32 v9, v19;
	v5 =	vsub.f32 v10, v21;
	v1 =	vld [tilespmem:s30+$0x10]  }
0xa8: {  	v10 =	vsub.f32 v11, v22;
	v16 =	vmul.f32 v24, v24;
	v6 =	vld [tilespmem:s30+$0x20];
	v3 =	vmul.f32 v3, v3  }
0xa9: {  	v2 =	vmul.f32 v2, v2;
	v4 =	vmul.f32 v4, v4;
	v7 =	vsub.f32 v7, v20;
	v8 =	vld [tilespmem:s30+$0xFFFFFFC0]  }
0xaa: {  	v5 =	vmul.f32 v5, v5;
	v18 =	vmul.f32 v10, v10;
	v9 =	vld [tilespmem:s30+$0xFFFFFFD0];
	v17 =	vsub.f32 v23, v17  }
0xab: {  	v2 =	vadd.f32 v2, v14;
	v4 =	vadd.f32 v4, v15;
	v19 =	vmul.f32 v7, v7;
	v10 =	vld [tilespmem:s30+$0xFFFFFFE0]  }
0xac: {  	s28 =	sadd.s32 $0x80, s28;
	v5 =	vadd.f32 v5, v13;
	v12 =	vadd.f32 v18, v12;
	v11 =	vld [tilespmem:s30+$0xFFFFFFF0];
	v17 =	vmul.f32 v17, v17  }
0xad: {  	v14 =	vadd.f32 v16, v2;
	v15 =	vadd.f32 v3, v4;
	v18 =	vld [tilespmem:s28+$0xFFFFFFD0];
	v7 =	vmov v6  }
0xae: {  	v13 =	vadd.f32 v19, v5;
	v2 =	vld [tilespmem:s28+$0xFFFFFFE0];
	v12 =	vadd.f32 v17, v12  }
0xaf: {  	v3 =	vld [tilespmem:s28+$0xFFFFFF90]  }
0xb0: {  	v4 =	vld [tilespmem:s28+$0xFFFFFFA0]  }
0xb1: {  	v5 =	vld [tilespmem:s28+$0xFFFFFFB0]  }
0xb2: {  	s29 =	sadd.s32 $0x80, s29;
	v6 =	vld [tilespmem:s28+$0xFFFFFFC0]  }
0xb3: {  	p0 =	slt.u32 s29, $0xF80;
	v17 =	vld [tilespmem:s28+$0xFFFFFFF0]  }
0xb4: {  	v23 =	vld [tilespmem:s28+$0x0]  }
0xb5: {  	v24 =	vld.idx.msk [tilespmem:v18+s3+$0x0], $0xffff  }
0xb6: {  	v16 =	vld.idx.msk [tilespmem:v2+s3+$0x0], $0xffff  }
0xb7: {  	v18 =	vld.idx.msk [tilespmem:v3+s3+$0x0], $0xffff  }
0xb8: {  	v19 =	vld.idx.msk [tilespmem:v4+s3+$0x0], $0xffff  }
.Ltmp2:
0xb9: {  	v21 =	vld.idx.msk [tilespmem:v5+s3+$0x0], $0xffff;
	(pc) =	sbr.rel @p0 .LBB2_6-.Ltmp2, $4  }
0xba: {  	v22 =	vld.idx.msk [tilespmem:v6+s3+$0x0], $0xffff  }
0xbb: {  	v20 =	vld.idx.msk [tilespmem:v17+s3+$0x0], $0xffff  }
0xbc: {  	v17 =	vld.idx.msk [tilespmem:v23+s3+$0x0], $0xffff  }
0xbd: {  	v24 =	vsub.f32 v0, v24;
	v23 =	vld [tilespmem:s30+$0x30];
	s30 =	sadd.s32 $0x80, s30  }
0xbe: {  	_ =	swait.ge [sflag:s23], $0x1000  }
0xbf: {  	[sflag:s23] =	ssyncset.done $0x0  }
0xc0: {  	s30 =	simm.s32 $0x1D770;
	[sflag:s23] =	ssyncadd.s32 $0xFFFFF000  }
0xc1: {  	v25 =	vld [tilespmem:s30+$0xFFFFFFD0]  }
0xc2: {  	v0 =	vld [tilespmem:s30+$0xFFFFFFE0]  }
0xc3: {  	v2 =	vld [tilespmem:s30+$0xFFFFFFF0]  }
0xc4: {  	v3 =	vld [tilespmem:s30+$0xFFFFFF90]  }
0xc5: {  	v4 =	vld [tilespmem:s30+$0xFFFFFFA0]  }
0xc6: {  	v5 =	vld [tilespmem:s30+$0xFFFFFFB0]  }
0xc7: {  	s28 =	simm.s32 $0x1B770;
	v6 =	vld [tilespmem:s30+$0xFFFFFFC0]  }
0xc8: {  	v26 =	vld [tilespmem:s28+$0xFFFFFFD0]  }
0xc9: {  	v27 =	vld [tilespmem:s28+$0xFFFFFFE0]  }
0xca: {  	v28 =	vld [tilespmem:s28+$0xFFFFFF90]  }
0xcb: {  	v29 =	vld [tilespmem:s28+$0xFFFFFFA0]  }
0xcc: {  	v30 =	vld [tilespmem:s28+$0xFFFFFFB0]  }
0xcd: {  	v31 =	vld [tilespmem:s28+$0xFFFFFFC0]  }
0xce: {  	v32 =	vld [tilespmem:s28+$0xFFFFFFF0]  }
0xcf: {  	v8 =	vsub.f32 v8, v18;
	v33 =	vld [tilespmem:s28+$0x0]  }
0xd0: {  	v9 =	vsub.f32 v9, v19;
	v17 =	vsub.f32 v23, v17;
	v23 =	vld [tilespmem:s30+$0x0]  }
0xd1: {  	v1 =	vsub.f32 v1, v16;
	v10 =	vsub.f32 v10, v21;
	v26 =	vld.idx.msk [tilespmem:v26+s3+$0x0], $0xffff  }
0xd2: {  	v11 =	vsub.f32 v11, v22;
	v8 =	vmul.f32 v8, v8;
	v9 =	vmul.f32 v9, v9;
	v16 =	vld.idx.msk [tilespmem:v27+s3+$0x0], $0xffff  }
0xd3: {  	v7 =	vsub.f32 v7, v20;
	v10 =	vmul.f32 v10, v10;
	v1 =	vmul.f32 v1, v1;
	v18 =	vld.idx.msk [tilespmem:v28+s3+$0x0], $0xffff  }
0xd4: {  	v11 =	vmul.f32 v11, v11;
	v8 =	vadd.f32 v8, v14;
	v14 =	vmul.f32 v24, v24;
	v19 =	vld.idx.msk [tilespmem:v29+s3+$0x0], $0xffff  }
0xd5: {  	v9 =	vadd.f32 v9, v15;
	v10 =	vadd.f32 v10, v13;
	v7 =	vmul.f32 v7, v7;
	v21 =	vld.idx.msk [tilespmem:v30+s3+$0x0], $0xffff  }
0xd6: {  	v11 =	vadd.f32 v11, v12;
	v14 =	vadd.f32 v14, v8;
	v8 =	vmul.f32 v17, v17;
	v22 =	vld.idx.msk [tilespmem:v31+s3+$0x0], $0xffff  }
0xd7: {  	v15 =	vadd.f32 v1, v9;
	v13 =	vadd.f32 v7, v10;
	v20 =	vld.idx.msk [tilespmem:v32+s3+$0x0], $0xffff  }
0xd8: {  	s29 =	simm.s32 $0x0;
	s30 =	simm.s32 $0x1D7F0;
	v11 =	vadd.f32 v8, v11;
	v17 =	vld.idx.msk [tilespmem:v33+s3+$0x0], $0xffff;
	v24 =	vsub.f32 v25, v26  }
.LBB2_8:
0xd9: {  	v1 =	vld [tilespmem:s30+$0xFFFFFFD0];
	v7 =	vsub.f32 v3, v18;
	v3 =	vsub.f32 v0, v16  }
0xda: {  	v4 =	vsub.f32 v4, v19;
	v5 =	vsub.f32 v5, v21;
	v0 =	vld [tilespmem:s30+$0xFFFFFFE0]  }
0xdb: {  	v6 =	vsub.f32 v6, v22;
	v9 =	vmul.f32 v24, v24;
	v8 =	vld [tilespmem:s30+$0xFFFFFFF0];
	v10 =	vmul.f32 v3, v3  }
0xdc: {  	v7 =	vmul.f32 v7, v7;
	v12 =	vmul.f32 v4, v4;
	v2 =	vsub.f32 v2, v20;
	v3 =	vld [tilespmem:s30+$0xFFFFFF90]  }
0xdd: {  	v16 =	vmul.f32 v5, v5;
	v18 =	vmul.f32 v6, v6;
	v4 =	vld [tilespmem:s30+$0xFFFFFFA0];
	v17 =	vsub.f32 v23, v17  }
0xde: {  	v7 =	vadd.f32 v7, v14;
	v12 =	vadd.f32 v12, v15;
	v19 =	vmul.f32 v2, v2;
	v5 =	vld [tilespmem:s30+$0xFFFFFFB0]  }
0xdf: {  	s28 =	sadd.s32 $0x80, s28;
	v13 =	vadd.f32 v16, v13;
	v11 =	vadd.f32 v18, v11;
	v6 =	vld [tilespmem:s30+$0xFFFFFFC0];
	v16 =	vmul.f32 v17, v17  }
0xe0: {  	v14 =	vadd.f32 v9, v7;
	v15 =	vadd.f32 v10, v12;
	v17 =	vld [tilespmem:s28+$0xFFFFFFD0];
	v2 =	vmov v8  }
0xe1: {  	v13 =	vadd.f32 v19, v13;
	v7 =	vld [tilespmem:s28+$0xFFFFFFE0];
	v11 =	vadd.f32 v16, v11  }
0xe2: {  	v8 =	vld [tilespmem:s28+$0xFFFFFF90]  }
0xe3: {  	v9 =	vld [tilespmem:s28+$0xFFFFFFA0]  }
0xe4: {  	v10 =	vld [tilespmem:s28+$0xFFFFFFB0]  }
0xe5: {  	s29 =	sadd.s32 $0x80, s29;
	v12 =	vld [tilespmem:s28+$0xFFFFFFC0]  }
0xe6: {  	p0 =	slt.u32 s29, $0xF80;
	v20 =	vld [tilespmem:s28+$0xFFFFFFF0]  }
0xe7: {  	v23 =	vld [tilespmem:s28+$0x0]  }
0xe8: {  	v24 =	vld.idx.msk [tilespmem:v17+s3+$0x0], $0xffff  }
0xe9: {  	v16 =	vld.idx.msk [tilespmem:v7+s3+$0x0], $0xffff  }
0xea: {  	v18 =	vld.idx.msk [tilespmem:v8+s3+$0x0], $0xffff  }
0xeb: {  	v19 =	vld.idx.msk [tilespmem:v9+s3+$0x0], $0xffff  }
.Ltmp3:
0xec: {  	v21 =	vld.idx.msk [tilespmem:v10+s3+$0x0], $0xffff;
	(pc) =	sbr.rel @p0 .LBB2_8-.Ltmp3, $4  }
0xed: {  	v22 =	vld.idx.msk [tilespmem:v12+s3+$0x0], $0xffff  }
0xee: {  	v20 =	vld.idx.msk [tilespmem:v20+s3+$0x0], $0xffff  }
0xef: {  	v17 =	vld.idx.msk [tilespmem:v23+s3+$0x0], $0xffff  }
0xf0: {  	v24 =	vsub.f32 v1, v24;
	v23 =	vld [tilespmem:s30+$0x0];
	s30 =	sadd.s32 $0x80, s30  }
0xf1: {  	[tilespmem:s3], [sflag:$0x1] =	stream.strided.gather [hbm4b:s9+s17], $0x18700, s18, s17, $0x38;
	[tilespmem:$0x1E780] =	vst v63  }
0xf2: {  	_ = 	snop  }
0xf3: {  	[tilespmem:s19], [sflag:$0x3] =	stream.strided.gather [hbm4b:s10+s17], $0x1000, s18, s17, $0x38;
	[tilespmem:$0x1E780] =	vst v63  }
0xf4: {  	_ =	swait.ge [sflag:s20], $0x18700  }
0xf5: {  	[sflag:s20] =	ssyncset.done $0x0  }
0xf6: {  	[sflag:s20] =	ssyncadd.s32 $0xFFFE7900  }
0xf7: {  	[tilespmem:s22], [sflag:$0x3] =	stream.strided.gather [hbm4b:s11+s17], $0x1000, s18, s17, $0x38;
	[tilespmem:$0x1E780] =	vst v63  }
0xf8: {  	_ =	swait.ge [sflag:s23], $0x1000  }
0xf9: {  	[sflag:s23] =	ssyncset.done $0x0  }
0xfa: {  	s30 =	simm.s32 $0x1C740;
	[sflag:s23] =	ssyncadd.s32 $0xFFFFF000  }
0xfb: {  	v25 =	vld [tilespmem:s30+$0x0]  }
0xfc: {  	v1 =	vld [tilespmem:s30+$0x10]  }
0xfd: {  	v7 =	vld [tilespmem:s30+$0x20]  }
0xfe: {  	v8 =	vld [tilespmem:s30+$0xFFFFFFC0]  }
0xff: {  	v9 =	vld [tilespmem:s30+$0xFFFFFFD0]  }
0x100: {  	v10 =	vld [tilespmem:s30+$0xFFFFFFE0]  }
0x101: {  	s28 =	simm.s32 $0x18740;
	v12 =	vld [tilespmem:s30+$0xFFFFFFF0]  }
0x102: {  	v26 =	vld [tilespmem:s28+$0x0]  }
0x103: {  	v27 =	vld [tilespmem:s28+$0x10]  }
0x104: {  	v28 =	vld [tilespmem:s28+$0xFFFFFFC0]  }
0x105: {  	v29 =	vld [tilespmem:s28+$0xFFFFFFD0]  }
0x106: {  	v30 =	vld [tilespmem:s28+$0xFFFFFFE0]  }
0x107: {  	v31 =	vld [tilespmem:s28+$0xFFFFFFF0]  }
0x108: {  	v32 =	vld [tilespmem:s28+$0x20]  }
0x109: {  	v3 =	vsub.f32 v3, v18;
	v33 =	vld [tilespmem:s28+$0x30]  }
0x10a: {  	v4 =	vsub.f32 v4, v19;
	v17 =	vsub.f32 v23, v17;
	v23 =	vld [tilespmem:s30+$0x30]  }
0x10b: {  	v0 =	vsub.f32 v0, v16;
	v5 =	vsub.f32 v5, v21;
	v26 =	vld.idx.msk [tilespmem:v26+s3+$0x0], $0xffff  }
0x10c: {  	v6 =	vsub.f32 v6, v22;
	v3 =	vmul.f32 v3, v3;
	v4 =	vmul.f32 v4, v4;
	v16 =	vld.idx.msk [tilespmem:v27+s3+$0x0], $0xffff  }
0x10d: {  	v2 =	vsub.f32 v2, v20;
	v5 =	vmul.f32 v5, v5;
	v0 =	vmul.f32 v0, v0;
	v18 =	vld.idx.msk [tilespmem:v28+s3+$0x0], $0xffff  }
0x10e: {  	v6 =	vmul.f32 v6, v6;
	v3 =	vadd.f32 v3, v14;
	v14 =	vmul.f32 v24, v24;
	v19 =	vld.idx.msk [tilespmem:v29+s3+$0x0], $0xffff  }
0x10f: {  	v4 =	vadd.f32 v4, v15;
	v5 =	vadd.f32 v5, v13;
	v2 =	vmul.f32 v2, v2;
	v21 =	vld.idx.msk [tilespmem:v30+s3+$0x0], $0xffff  }
0x110: {  	v11 =	vadd.f32 v6, v11;
	v14 =	vadd.f32 v14, v3;
	v3 =	vmul.f32 v17, v17;
	v22 =	vld.idx.msk [tilespmem:v31+s3+$0x0], $0xffff  }
0x111: {  	v15 =	vadd.f32 v0, v4;
	v6 =	vadd.f32 v2, v5;
	v20 =	vld.idx.msk [tilespmem:v32+s3+$0x0], $0xffff  }
0x112: {  	s29 =	simm.s32 $0x0;
	v3 =	vadd.f32 v3, v11;
	s30 =	simm.s32 $0x1C7C0;
	v17 =	vld.idx.msk [tilespmem:v33+s3+$0x0], $0xffff;
	v24 =	vsub.f32 v25, v26  }
.LBB2_10:
0x113: {  	v0 =	vld [tilespmem:s30+$0x0];
	v2 =	vsub.f32 v8, v18;
	v4 =	vsub.f32 v1, v16  }
0x114: {  	v5 =	vsub.f32 v9, v19;
	v10 =	vsub.f32 v10, v21;
	v1 =	vld [tilespmem:s30+$0x10]  }
0x115: {  	v12 =	vsub.f32 v12, v22;
	v13 =	vmul.f32 v24, v24;
	v11 =	vld [tilespmem:s30+$0x20];
	v4 =	vmul.f32 v4, v4  }
0x116: {  	v2 =	vmul.f32 v2, v2;
	v5 =	vmul.f32 v5, v5;
	v7 =	vsub.f32 v7, v20;
	v8 =	vld [tilespmem:s30+$0xFFFFFFC0]  }
0x117: {  	v16 =	vmul.f32 v10, v10;
	v18 =	vmul.f32 v12, v12;
	v9 =	vld [tilespmem:s30+$0xFFFFFFD0];
	v17 =	vsub.f32 v23, v17  }
0x118: {  	v2 =	vadd.f32 v2, v14;
	v5 =	vadd.f32 v5, v15;
	v19 =	vmul.f32 v7, v7;
	v10 =	vld [tilespmem:s30+$0xFFFFFFE0]  }
0x119: {  	s28 =	sadd.s32 $0x80, s28;
	v6 =	vadd.f32 v16, v6;
	v3 =	vadd.f32 v18, v3;
	v12 =	vld [tilespmem:s30+$0xFFFFFFF0];
	v16 =	vmul.f32 v17, v17  }
0x11a: {  	v14 =	vadd.f32 v13, v2;
	v15 =	vadd.f32 v4, v5;
	v17 =	vld [tilespmem:s28+$0x0];
	v7 =	vmov v11  }
0x11b: {  	v6 =	vadd.f32 v19, v6;
	v2 =	vld [tilespmem:s28+$0x10];
	v3 =	vadd.f32 v16, v3  }
0x11c: {  	v4 =	vld [tilespmem:s28+$0xFFFFFFC0]  }
0x11d: {  	v5 =	vld [tilespmem:s28+$0xFFFFFFD0]  }
0x11e: {  	v11 =	vld [tilespmem:s28+$0xFFFFFFE0]  }
0x11f: {  	s29 =	sadd.s32 $0x80, s29;
	v13 =	vld [tilespmem:s28+$0xFFFFFFF0]  }
0x120: {  	p0 =	slt.u32 s29, $0xF80;
	v20 =	vld [tilespmem:s28+$0x20]  }
0x121: {  	v23 =	vld [tilespmem:s28+$0x30]  }
0x122: {  	v24 =	vld.idx.msk [tilespmem:v17+s3+$0x0], $0xffff  }
0x123: {  	v16 =	vld.idx.msk [tilespmem:v2+s3+$0x0], $0xffff  }
0x124: {  	v18 =	vld.idx.msk [tilespmem:v4+s3+$0x0], $0xffff  }
0x125: {  	v19 =	vld.idx.msk [tilespmem:v5+s3+$0x0], $0xffff  }
.Ltmp4:
0x126: {  	v21 =	vld.idx.msk [tilespmem:v11+s3+$0x0], $0xffff;
	(pc) =	sbr.rel @p0 .LBB2_10-.Ltmp4, $4  }
0x127: {  	v22 =	vld.idx.msk [tilespmem:v13+s3+$0x0], $0xffff  }
0x128: {  	v20 =	vld.idx.msk [tilespmem:v20+s3+$0x0], $0xffff  }
0x129: {  	v17 =	vld.idx.msk [tilespmem:v23+s3+$0x0], $0xffff  }
0x12a: {  	v24 =	vsub.f32 v0, v24;
	v23 =	vld [tilespmem:s30+$0x30];
	s30 =	sadd.s32 $0x80, s30  }
0x12b: {  	[tilespmem:s19], [sflag:$0x3] =	stream.strided.gather [hbm4b:s12+s17], $0x1000, s18, s17, $0x38;
	[tilespmem:$0x1E780] =	vst v63  }
0x12c: {  	_ =	swait.ge [sflag:s23], $0x1000  }
0x12d: {  	[sflag:s23] =	ssyncset.done $0x0  }
0x12e: {  	s30 =	simm.s32 $0x1D770;
	[sflag:s23] =	ssyncadd.s32 $0xFFFFF000  }
0x12f: {  	v25 =	vld [tilespmem:s30+$0xFFFFFFD0]  }
0x130: {  	v0 =	vld [tilespmem:s30+$0xFFFFFFE0]  }
0x131: {  	v2 =	vld [tilespmem:s30+$0xFFFFFFF0]  }
0x132: {  	v4 =	vld [tilespmem:s30+$0xFFFFFF90]  }
0x133: {  	v5 =	vld [tilespmem:s30+$0xFFFFFFA0]  }
0x134: {  	v11 =	vld [tilespmem:s30+$0xFFFFFFB0]  }
0x135: {  	s28 =	simm.s32 $0x19770;
	v13 =	vld [tilespmem:s30+$0xFFFFFFC0]  }
0x136: {  	v26 =	vld [tilespmem:s28+$0xFFFFFFD0]  }
0x137: {  	v27 =	vld [tilespmem:s28+$0xFFFFFFE0]  }
0x138: {  	v28 =	vld [tilespmem:s28+$0xFFFFFF90]  }
0x139: {  	v29 =	vld [tilespmem:s28+$0xFFFFFFA0]  }
0x13a: {  	v30 =	vld [tilespmem:s28+$0xFFFFFFB0]  }
0x13b: {  	v31 =	vld [tilespmem:s28+$0xFFFFFFC0]  }
0x13c: {  	v32 =	vld [tilespmem:s28+$0xFFFFFFF0]  }
0x13d: {  	v8 =	vsub.f32 v8, v18;
	v33 =	vld [tilespmem:s28+$0x0]  }
0x13e: {  	v9 =	vsub.f32 v9, v19;
	v17 =	vsub.f32 v23, v17;
	v23 =	vld [tilespmem:s30+$0x0]  }
0x13f: {  	v1 =	vsub.f32 v1, v16;
	v10 =	vsub.f32 v10, v21;
	v26 =	vld.idx.msk [tilespmem:v26+s3+$0x0], $0xffff  }
0x140: {  	v12 =	vsub.f32 v12, v22;
	v8 =	vmul.f32 v8, v8;
	v9 =	vmul.f32 v9, v9;
	v16 =	vld.idx.msk [tilespmem:v27+s3+$0x0], $0xffff  }
0x141: {  	v7 =	vsub.f32 v7, v20;
	v10 =	vmul.f32 v10, v10;
	v1 =	vmul.f32 v1, v1;
	v18 =	vld.idx.msk [tilespmem:v28+s3+$0x0], $0xffff  }
0x142: {  	v12 =	vmul.f32 v12, v12;
	v8 =	vadd.f32 v8, v14;
	v14 =	vmul.f32 v24, v24;
	v19 =	vld.idx.msk [tilespmem:v29+s3+$0x0], $0xffff  }
0x143: {  	v9 =	vadd.f32 v9, v15;
	v6 =	vadd.f32 v10, v6;
	v7 =	vmul.f32 v7, v7;
	v21 =	vld.idx.msk [tilespmem:v30+s3+$0x0], $0xffff  }
0x144: {  	v3 =	vadd.f32 v12, v3;
	v14 =	vadd.f32 v14, v8;
	v8 =	vmul.f32 v17, v17;
	v22 =	vld.idx.msk [tilespmem:v31+s3+$0x0], $0xffff  }
0x145: {  	v15 =	vadd.f32 v1, v9;
	v12 =	vadd.f32 v7, v6;
	v20 =	vld.idx.msk [tilespmem:v32+s3+$0x0], $0xffff  }
0x146: {  	s29 =	simm.s32 $0x0;
	s30 =	simm.s32 $0x1D7F0;
	v10 =	vadd.f32 v8, v3;
	v17 =	vld.idx.msk [tilespmem:v33+s3+$0x0], $0xffff;
	v24 =	vsub.f32 v25, v26  }
.LBB2_12:
0x147: {  	v1 =	vld [tilespmem:s30+$0xFFFFFFD0];
	v3 =	vsub.f32 v4, v18;
	v4 =	vsub.f32 v0, v16  }
0x148: {  	v5 =	vsub.f32 v5, v19;
	v6 =	vsub.f32 v11, v21;
	v0 =	vld [tilespmem:s30+$0xFFFFFFE0]  }
0x149: {  	v8 =	vsub.f32 v13, v22;
	v9 =	vmul.f32 v24, v24;
	v7 =	vld [tilespmem:s30+$0xFFFFFFF0];
	v16 =	vmul.f32 v4, v4  }
0x14a: {  	v3 =	vmul.f32 v3, v3;
	v13 =	vmul.f32 v5, v5;
	v2 =	vsub.f32 v2, v20;
	v4 =	vld [tilespmem:s30+$0xFFFFFF90]  }
0x14b: {  	v6 =	vmul.f32 v6, v6;
	v8 =	vmul.f32 v8, v8;
	v5 =	vld [tilespmem:s30+$0xFFFFFFA0];
	v17 =	vsub.f32 v23, v17  }
0x14c: {  	v3 =	vadd.f32 v3, v14;
	v15 =	vadd.f32 v13, v15;
	v18 =	vmul.f32 v2, v2;
	v11 =	vld [tilespmem:s30+$0xFFFFFFB0]  }
0x14d: {  	s28 =	sadd.s32 $0x80, s28;
	v6 =	vadd.f32 v6, v12;
	v8 =	vadd.f32 v8, v10;
	v13 =	vld [tilespmem:s30+$0xFFFFFFC0];
	v10 =	vmul.f32 v17, v17  }
0x14e: {  	v14 =	vadd.f32 v9, v3;
	v15 =	vadd.f32 v16, v15;
	v17 =	vld [tilespmem:s28+$0xFFFFFFD0];
	v2 =	vmov v7  }
0x14f: {  	v12 =	vadd.f32 v18, v6;
	v3 =	vld [tilespmem:s28+$0xFFFFFFE0];
	v10 =	vadd.f32 v10, v8  }
0x150: {  	v6 =	vld [tilespmem:s28+$0xFFFFFF90]  }
0x151: {  	v7 =	vld [tilespmem:s28+$0xFFFFFFA0]  }
0x152: {  	v8 =	vld [tilespmem:s28+$0xFFFFFFB0]  }
0x153: {  	s29 =	sadd.s32 $0x80, s29;
	v9 =	vld [tilespmem:s28+$0xFFFFFFC0]  }
0x154: {  	p0 =	slt.u32 s29, $0xF80;
	v20 =	vld [tilespmem:s28+$0xFFFFFFF0]  }
0x155: {  	v23 =	vld [tilespmem:s28+$0x0]  }
0x156: {  	v24 =	vld.idx.msk [tilespmem:v17+s3+$0x0], $0xffff  }
0x157: {  	v16 =	vld.idx.msk [tilespmem:v3+s3+$0x0], $0xffff  }
0x158: {  	v18 =	vld.idx.msk [tilespmem:v6+s3+$0x0], $0xffff  }
0x159: {  	v19 =	vld.idx.msk [tilespmem:v7+s3+$0x0], $0xffff  }
.Ltmp5:
0x15a: {  	v21 =	vld.idx.msk [tilespmem:v8+s3+$0x0], $0xffff;
	(pc) =	sbr.rel @p0 .LBB2_12-.Ltmp5, $4  }
0x15b: {  	v22 =	vld.idx.msk [tilespmem:v9+s3+$0x0], $0xffff  }
0x15c: {  	v20 =	vld.idx.msk [tilespmem:v20+s3+$0x0], $0xffff  }
0x15d: {  	v17 =	vld.idx.msk [tilespmem:v23+s3+$0x0], $0xffff  }
0x15e: {  	v24 =	vsub.f32 v1, v24;
	v23 =	vld [tilespmem:s30+$0x0];
	s30 =	sadd.s32 $0x80, s30  }
0x15f: {  	[tilespmem:s22], [sflag:$0x3] =	stream.strided.gather [hbm4b:s13+s17], $0x1000, s18, s17, $0x38;
	[tilespmem:$0x1E780] =	vst v63  }
0x160: {  	_ =	swait.ge [sflag:s23], $0x1000  }
0x161: {  	[sflag:s23] =	ssyncset.done $0x0  }
0x162: {  	s30 =	simm.s32 $0x1C740;
	[sflag:s23] =	ssyncadd.s32 $0xFFFFF000  }
0x163: {  	v25 =	vld [tilespmem:s30+$0x0]  }
0x164: {  	v1 =	vld [tilespmem:s30+$0x10]  }
0x165: {  	v3 =	vld [tilespmem:s30+$0x20]  }
0x166: {  	v6 =	vld [tilespmem:s30+$0xFFFFFFC0]  }
0x167: {  	v7 =	vld [tilespmem:s30+$0xFFFFFFD0]  }
0x168: {  	v8 =	vld [tilespmem:s30+$0xFFFFFFE0]  }
0x169: {  	s28 =	simm.s32 $0x1A770;
	v9 =	vld [tilespmem:s30+$0xFFFFFFF0]  }
0x16a: {  	v26 =	vld [tilespmem:s28+$0xFFFFFFD0]  }
0x16b: {  	v27 =	vld [tilespmem:s28+$0xFFFFFFE0]  }
0x16c: {  	v28 =	vld [tilespmem:s28+$0xFFFFFF90]  }
0x16d: {  	v29 =	vld [tilespmem:s28+$0xFFFFFFA0]  }
0x16e: {  	v30 =	vld [tilespmem:s28+$0xFFFFFFB0]  }
0x16f: {  	v31 =	vld [tilespmem:s28+$0xFFFFFFC0]  }
0x170: {  	v32 =	vld [tilespmem:s28+$0xFFFFFFF0]  }
0x171: {  	v4 =	vsub.f32 v4, v18;
	v33 =	vld [tilespmem:s28+$0x0]  }
0x172: {  	v5 =	vsub.f32 v5, v19;
	v17 =	vsub.f32 v23, v17;
	v23 =	vld [tilespmem:s30+$0x30]  }
0x173: {  	v0 =	vsub.f32 v0, v16;
	v11 =	vsub.f32 v11, v21;
	v26 =	vld.idx.msk [tilespmem:v26+s3+$0x0], $0xffff  }
0x174: {  	v13 =	vsub.f32 v13, v22;
	v4 =	vmul.f32 v4, v4;
	v5 =	vmul.f32 v5, v5;
	v16 =	vld.idx.msk [tilespmem:v27+s3+$0x0], $0xffff  }
0x175: {  	v2 =	vsub.f32 v2, v20;
	v11 =	vmul.f32 v11, v11;
	v0 =	vmul.f32 v0, v0;
	v18 =	vld.idx.msk [tilespmem:v28+s3+$0x0], $0xffff  }
0x176: {  	v13 =	vmul.f32 v13, v13;
	v4 =	vadd.f32 v4, v14;
	v14 =	vmul.f32 v24, v24;
	v19 =	vld.idx.msk [tilespmem:v29+s3+$0x0], $0xffff  }
0x177: {  	v5 =	vadd.f32 v5, v15;
	v11 =	vadd.f32 v11, v12;
	v2 =	vmul.f32 v2, v2;
	v21 =	vld.idx.msk [tilespmem:v30+s3+$0x0], $0xffff  }
0x178: {  	v10 =	vadd.f32 v13, v10;
	v12 =	vadd.f32 v14, v4;
	v4 =	vmul.f32 v17, v17;
	v22 =	vld.idx.msk [tilespmem:v31+s3+$0x0], $0xffff  }
0x179: {  	v13 =	vadd.f32 v0, v5;
	v11 =	vadd.f32 v2, v11;
	v20 =	vld.idx.msk [tilespmem:v32+s3+$0x0], $0xffff  }
0x17a: {  	s29 =	simm.s32 $0x0;
	s30 =	simm.s32 $0x1C7C0;
	v4 =	vadd.f32 v4, v10;
	v17 =	vld.idx.msk [tilespmem:v33+s3+$0x0], $0xffff;
	v24 =	vsub.f32 v25, v26  }
.LBB2_14:
0x17b: {  	v0 =	vld [tilespmem:s30+$0x0];
	v2 =	vsub.f32 v6, v18;
	v5 =	vsub.f32 v1, v16  }
0x17c: {  	v7 =	vsub.f32 v7, v19;
	v8 =	vsub.f32 v8, v21;
	v1 =	vld [tilespmem:s30+$0x10]  }
0x17d: {  	v9 =	vsub.f32 v9, v22;
	v14 =	vmul.f32 v24, v24;
	v10 =	vld [tilespmem:s30+$0x20];
	v5 =	vmul.f32 v5, v5  }
0x17e: {  	v2 =	vmul.f32 v2, v2;
	v15 =	vmul.f32 v7, v7;
	v3 =	vsub.f32 v3, v20;
	v6 =	vld [tilespmem:s30+$0xFFFFFFC0]  }
0x17f: {  	v16 =	vmul.f32 v8, v8;
	v18 =	vmul.f32 v9, v9;
	v7 =	vld [tilespmem:s30+$0xFFFFFFD0];
	v17 =	vsub.f32 v23, v17  }
0x180: {  	v2 =	vadd.f32 v2, v12;
	v13 =	vadd.f32 v15, v13;
	v15 =	vmul.f32 v3, v3;
	v8 =	vld [tilespmem:s30+$0xFFFFFFE0]  }
0x181: {  	s28 =	sadd.s32 $0x80, s28;
	v11 =	vadd.f32 v16, v11;
	v4 =	vadd.f32 v18, v4;
	v9 =	vld [tilespmem:s30+$0xFFFFFFF0];
	v16 =	vmul.f32 v17, v17  }
0x182: {  	v12 =	vadd.f32 v14, v2;
	v13 =	vadd.f32 v5, v13;
	v17 =	vld [tilespmem:s28+$0xFFFFFFD0];
	v3 =	vmov v10  }
0x183: {  	v11 =	vadd.f32 v15, v11;
	v2 =	vld [tilespmem:s28+$0xFFFFFFE0];
	v4 =	vadd.f32 v16, v4  }
0x184: {  	v5 =	vld [tilespmem:s28+$0xFFFFFF90]  }
0x185: {  	v10 =	vld [tilespmem:s28+$0xFFFFFFA0]  }
0x186: {  	v14 =	vld [tilespmem:s28+$0xFFFFFFB0]  }
0x187: {  	s29 =	sadd.s32 $0x80, s29;
	v15 =	vld [tilespmem:s28+$0xFFFFFFC0]  }
0x188: {  	p0 =	slt.u32 s29, $0xF80;
	v20 =	vld [tilespmem:s28+$0xFFFFFFF0]  }
0x189: {  	v23 =	vld [tilespmem:s28+$0x0]  }
0x18a: {  	v24 =	vld.idx.msk [tilespmem:v17+s3+$0x0], $0xffff  }
0x18b: {  	v16 =	vld.idx.msk [tilespmem:v2+s3+$0x0], $0xffff  }
0x18c: {  	v18 =	vld.idx.msk [tilespmem:v5+s3+$0x0], $0xffff  }
0x18d: {  	v19 =	vld.idx.msk [tilespmem:v10+s3+$0x0], $0xffff  }
.Ltmp6:
0x18e: {  	v21 =	vld.idx.msk [tilespmem:v14+s3+$0x0], $0xffff;
	(pc) =	sbr.rel @p0 .LBB2_14-.Ltmp6, $4  }
0x18f: {  	v22 =	vld.idx.msk [tilespmem:v15+s3+$0x0], $0xffff  }
0x190: {  	v20 =	vld.idx.msk [tilespmem:v20+s3+$0x0], $0xffff  }
0x191: {  	v17 =	vld.idx.msk [tilespmem:v23+s3+$0x0], $0xffff  }
0x192: {  	v24 =	vsub.f32 v0, v24;
	v23 =	vld [tilespmem:s30+$0x30];
	s30 =	sadd.s32 $0x80, s30  }
0x193: {  	_ =	swait.ge [sflag:s23], $0x1000  }
0x194: {  	[sflag:s23] =	ssyncset.done $0x0  }
0x195: {  	s30 =	simm.s32 $0x1D770;
	[sflag:s23] =	ssyncadd.s32 $0xFFFFF000  }
0x196: {  	v25 =	vld [tilespmem:s30+$0xFFFFFFD0]  }
0x197: {  	v0 =	vld [tilespmem:s30+$0xFFFFFFE0]  }
0x198: {  	v2 =	vld [tilespmem:s30+$0xFFFFFFF0]  }
0x199: {  	v5 =	vld [tilespmem:s30+$0xFFFFFF90]  }
0x19a: {  	v10 =	vld [tilespmem:s30+$0xFFFFFFA0]  }
0x19b: {  	v14 =	vld [tilespmem:s30+$0xFFFFFFB0]  }
0x19c: {  	s28 =	simm.s32 $0x1B770;
	v15 =	vld [tilespmem:s30+$0xFFFFFFC0]  }
0x19d: {  	v6 =	vsub.f32 v6, v18;
	v26 =	vld [tilespmem:s28+$0xFFFFFFD0]  }
0x19e: {  	v27 =	vld [tilespmem:s28+$0xFFFFFFE0]  }
0x19f: {  	v1 =	vsub.f32 v1, v16;
	v16 =	vsub.f32 v9, v22;
	v6 =	vmul.f32 v6, v6;
	v28 =	vld [tilespmem:s28+$0xFFFFFF90]  }
0x1a0: {  	v62 =	vmul.f32 v24, v24;
	v3 =	vsub.f32 v3, v20;
	v29 =	vld [tilespmem:s28+$0xFFFFFFA0]  }
0x1a1: {  	v30 =	vld [tilespmem:s28+$0xFFFFFFB0];
	v16 =	vmul.f32 v16, v16;
	v20 =	vsub.f32 v23, v17;
	v6 =	vadd.f32 v6, v12  }
0x1a2: {  	v63 =	vmul.f32 v1, v1;
	v31 =	vld [tilespmem:s28+$0xFFFFFFC0]  }
0x1a3: {  	v32 =	vld [tilespmem:s28+$0xFFFFFFF0];
	v16 =	vadd.f32 v16, v4;
	v1 =	vadd.f32 v62, v6;
	v6 =	vmul.f32 v20, v20  }
0x1a4: {  	v18 =	vld [tilespmem:s28+$0x0]  }
0x1a5: {  	v6 =	vadd.f32 v6, v16;
	v16 =	vld [tilespmem:s30+$0x0]  }
0x1a6: {  	v19 =	vsub.f32 v7, v19;
	v26 =	vld.idx.msk [tilespmem:v26+s3+$0x0], $0xffff  }
0x1a7: {  	v8 =	vsub.f32 v8, v21;
	v7 =	vld.idx.msk [tilespmem:v27+s3+$0x0], $0xffff  }
0x1a8: {  	v19 =	vmul.f32 v19, v19;
	v9 =	vld.idx.msk [tilespmem:v28+s3+$0x0], $0xffff  }
0x1a9: {  	v8 =	vmul.f32 v8, v8;
	v12 =	vld.idx.msk [tilespmem:v29+s3+$0x0], $0xffff  }
0x1aa: {  	v19 =	vadd.f32 v19, v13;
	v13 =	vld.idx.msk [tilespmem:v30+s3+$0x0], $0xffff  }
0x1ab: {  	v8 =	vadd.f32 v8, v11;
	v3 =	vmul.f32 v3, v3;
	v17 =	vld.idx.msk [tilespmem:v31+s3+$0x0], $0xffff  }
0x1ac: {  	v4 =	vadd.f32 v63, v19;
	v11 =	vld.idx.msk [tilespmem:v32+s3+$0x0], $0xffff  }
0x1ad: {  	s29 =	simm.s32 $0x0;
	v3 =	vadd.f32 v3, v8;
	s30 =	simm.s32 $0x1D7F0;
	v8 =	vld.idx.msk [tilespmem:v18+s3+$0x0], $0xffff;
	v18 =	vsub.f32 v25, v26  }
.LBB2_16:
0x1ae: {  	v19 =	vld [tilespmem:s30+$0xFFFFFFD0];
	v9 =	vsub.f32 v5, v9;
	v5 =	vsub.f32 v0, v7  }
0x1af: {  	v7 =	vsub.f32 v10, v12;
	v12 =	vsub.f32 v14, v13;
	v0 =	vld [tilespmem:s30+$0xFFFFFFE0]  }
0x1b0: {  	v14 =	vsub.f32 v15, v17;
	v17 =	vmul.f32 v18, v18;
	v13 =	vld [tilespmem:s30+$0xFFFFFFF0];
	v18 =	vmul.f32 v5, v5  }
0x1b1: {  	v9 =	vmul.f32 v9, v9;
	v7 =	vmul.f32 v7, v7;
	v2 =	vsub.f32 v2, v11;
	v5 =	vld [tilespmem:s30+$0xFFFFFF90]  }
0x1b2: {  	v11 =	vmul.f32 v12, v12;
	v12 =	vmul.f32 v14, v14;
	v10 =	vld [tilespmem:s30+$0xFFFFFFA0];
	v8 =	vsub.f32 v16, v8  }
0x1b3: {  	v1 =	vadd.f32 v9, v1;
	v4 =	vadd.f32 v7, v4;
	v7 =	vmul.f32 v2, v2;
	v14 =	vld [tilespmem:s30+$0xFFFFFFB0]  }
0x1b4: {  	s28 =	sadd.s32 $0x80, s28;
	v3 =	vadd.f32 v11, v3;
	v6 =	vadd.f32 v12, v6;
	v15 =	vld [tilespmem:s30+$0xFFFFFFC0];
	v8 =	vmul.f32 v8, v8  }
0x1b5: {  	v1 =	vadd.f32 v17, v1;
	v4 =	vadd.f32 v18, v4;
	v9 =	vld [tilespmem:s28+$0xFFFFFFD0];
	v2 =	vmov v13  }
0x1b6: {  	v3 =	vadd.f32 v7, v3;
	v11 =	vld [tilespmem:s28+$0xFFFFFFE0];
	v6 =	vadd.f32 v8, v6  }
0x1b7: {  	v8 =	vld [tilespmem:s28+$0xFFFFFF90]  }
0x1b8: {  	v12 =	vld [tilespmem:s28+$0xFFFFFFA0]  }
0x1b9: {  	v13 =	vld [tilespmem:s28+$0xFFFFFFB0]  }
0x1ba: {  	s29 =	sadd.s32 $0x80, s29;
	v16 =	vld [tilespmem:s28+$0xFFFFFFC0]  }
0x1bb: {  	p0 =	slt.u32 s29, $0xF80;
	v18 =	vld [tilespmem:s28+$0xFFFFFFF0]  }
0x1bc: {  	v20 =	vld [tilespmem:s28+$0x0]  }
0x1bd: {  	v21 =	vld.idx.msk [tilespmem:v9+s3+$0x0], $0xffff  }
0x1be: {  	v7 =	vld.idx.msk [tilespmem:v11+s3+$0x0], $0xffff  }
0x1bf: {  	v9 =	vld.idx.msk [tilespmem:v8+s3+$0x0], $0xffff  }
0x1c0: {  	v12 =	vld.idx.msk [tilespmem:v12+s3+$0x0], $0xffff  }
.Ltmp7:
0x1c1: {  	v13 =	vld.idx.msk [tilespmem:v13+s3+$0x0], $0xffff;
	(pc) =	sbr.rel @p0 .LBB2_16-.Ltmp7, $4  }
0x1c2: {  	v17 =	vld.idx.msk [tilespmem:v16+s3+$0x0], $0xffff  }
0x1c3: {  	v11 =	vld.idx.msk [tilespmem:v18+s3+$0x0], $0xffff  }
0x1c4: {  	v8 =	vld.idx.msk [tilespmem:v20+s3+$0x0], $0xffff  }
0x1c5: {  	v18 =	vsub.f32 v19, v21;
	v16 =	vld [tilespmem:s30+$0x0];
	s30 =	sadd.s32 $0x80, s30  }
0x1c6: {  	v5 =	vsub.f32 v5, v9;
	v0 =	vsub.f32 v0, v7  }
0x1c7: {  	v56 =	vsub.f32 v10, v12;
	v57 =	vsub.f32 v14, v13  }
0x1c8: {  	v58 =	vsub.f32 v15, v17;
	v59 =	vmul.f32 v18, v18;
	v0 =	vmul.f32 v0, v0  }
0x1c9: {  	v5 =	vmul.f32 v5, v5;
	v7 =	vmul.f32 v56, v56;
	v2 =	vsub.f32 v2, v11  }
0x1ca: {  	v9 =	vmul.f32 v57, v57;
	v10 =	vmul.f32 v58, v58;
	v8 =	vsub.f32 v16, v8  }
0x1cb: {  	v1 =	vadd.f32 v5, v1;
	v4 =	vadd.f32 v7, v4;
	v2 =	vmul.f32 v2, v2  }
0x1cc: {  	v3 =	vadd.f32 v9, v3;
	v60 =	vadd.f32 v10, v6;
	v61 =	vmul.f32 v8, v8  }
0x1cd: {  	v1 =	vadd.f32 v59, v1;
	v0 =	vadd.f32 v0, v4  }
0x1ce: {  	v2 =	vadd.f32 v2, v3;
	v62 =	vadd.f32 v61, v60;
	_ =	sdelay $0x1  }
0x1cf: {  	v0 =	vadd.f32 v0, v1;
	v63 =	vadd.f32 v62, v2;
	_ =	sdelay $0x1  }
0x1d0: {  	s26 =	sadd.s32 $0x1, s26;
	v0 =	vadd.f32 v63, v0  }
0x1d1: {  	p0 =	sne.s32 s26, s15  }
.Ltmp8:
0x1d2: {  	[tilespmem:$0x1E700] =	vst v0;
	(pc) =	sbr.rel @p0 .LBB2_1-.Ltmp8, $4  }
0x1d3: {  	[hbm4b:s14+s3] =	stream.linear.scatter [tilespmem:s24], [sflag:$0x4], $0x10, $0x38;
	[tilespmem:$0x1E780] =	vst v63  }
0x1d4: {  	_ =	swait.ge [sflag:s25], $0x10  }
0x1d5: {  	[sflag:s25] =	ssyncset.done $0x0  }
0x1d6: {  	[sflag:s25] =	ssyncadd.s32 $0xFFFFFFF0  }
0x1d7: {  	_ =	sfence.sel $0x180000  }
0x1d8: {  	[bflag:$0x0] =	sbarrier.arrive $0xFFFF  }
0x1d9: {  	p0 =	sne.s32 s0, $0x0;
	_ =	strace $0x90000047  }
0x1da: {  	s0 =	sadd.s32 @!p0 $0x100000, s2;
	[bflag:$0x2] =	sbarrier.arrive $0xFFFF  }
0x1db: {  	[sflag:s0] =	ssyncadd.tile.s32 @!p0 $0x1;
	_ =	shalt  }
.Lfunc_end2:
_tile_overlayer_lowered:
.L_overlay_start_2:
0x1dc: {  	(tag) =	ssettag $0x2  }
0x1dd: {  	s0 =	rddreg [dreg:$0x0];
	s2 =	stileid.u32  }
0x1de: {  	s1 =	rddreg [dreg:$0x1];
	p0 =	sne.s32 s2, $0x0  }
0x1df: {  	s3 =	rddreg [dreg:$0x2];
	[bflag:$0x3] =	sbarrier.arrive $0xFFFF;
	s2 =	simm.s32 @!p0 $0x1C04  }
0x1e0: {  	[timem:s3], [sflag:s2] =	dma.local @!p0 [hbm:s0], s1  }
0x1e1: {  	s0 =	simm.s32 @!p0 $0x4  }
0x1e2: {  	_ =	swait.ge @!p0 [sflag:s0], s1  }
0x1e3: {  	s1 =	ssub.s32 @!p0 $0x0, s1;
	[sflag:s0] =	ssyncset.done @!p0 $0x0  }
0x1e4: {  	[sflag:s0] =	ssyncadd.s32 @!p0 s1  }
0x1e5: {  	[bflag:$0x3] =	sbarrier.arrive $0xFFFF  }
0x1e6: {  	_ =	shalt  }

</sc_bundles>
